<compile_context>
chip_gen: v7x
topology: tpu7x:2x2x1
jax: 0.10.2.dev20260603
libtpu: 0.0.44.dev20260713+nightly
codegen_flags: <defaults>
</compile_context>

<pallas_src>
import functools

import jax
import jax.numpy as jnp
from jax import lax
from jax.experimental import pallas as pl
from jax.experimental.pallas import tpu as pltpu
from jax.experimental.pallas import tpu_sc as plsc

N = 10000
K = 16
H = 64
RB = 128
NP = 10112
DP = 128
NB = 2000
NG = N // NB
E = N * K
CH = 128
EPAD = 163840
BIGF = 3.0e38
BIGI = 1 << 30



def _dist_body(hp_ref, ht_ref, wa_ref, wb_ref, vec_ref,
               idx_ref, u_ref, c_ref):
    hb = hp_ref[...]
    ht = ht_ref[...]
    d2 = -2.0 * jnp.dot(hb, ht, preferred_element_type=jnp.float32)
    sq_row = jnp.sum(hb * hb, axis=1, keepdims=True)
    sq_col = jnp.sum(ht * ht, axis=0, keepdims=True)
    d2 = d2 + sq_row + sq_col
    col = lax.broadcasted_iota(jnp.int32, (RB, NP), 1)
    d2 = jnp.where(col < N, d2, BIGF)
    picks = []
    for _ in range(K):
        idxk = jnp.argmin(d2, axis=1).astype(jnp.int32).reshape(RB, 1)
        picks.append(idxk)
        d2 = jnp.where(col == idxk, BIGF, d2)
    idx_ref[...] = jnp.concatenate(picks, axis=1)
    u = jnp.dot(hb, wb_ref[...], preferred_element_type=jnp.float32)
    u_ref[...] = u
    c_ref[...] = (jnp.dot(hb, wa_ref[...], preferred_element_type=jnp.float32)
                  + vec_ref[0:1, :] - u[:, 0:H])


def _stats_body(uj_ref, c_ref, stats_ref):
    first = (pl.program_id(0) == 0) & (pl.program_id(1) == 0)

    @pl.when(first)
    def _():
        stats_ref[...] = jnp.zeros((8, H), jnp.float32)

    m = uj_ref[:, 0:H] + c_ref[...]
    s1 = jnp.sum(m, axis=0, keepdims=True)
    s2 = jnp.sum(m * m, axis=0, keepdims=True)
    stats_ref[0:1, :] += s1
    stats_ref[1:2, :] += s2


def _out_body(uj_ref, c_ref, stats_ref, vec_ref, w2_ref, out_ref):
    k = pl.program_id(1)
    m = uj_ref[:, 0:H] + c_ref[...]
    mu = stats_ref[0:1, :] / jnp.float32(E)
    var = stats_ref[1:2, :] / jnp.float32(E) - mu * mu
    g = vec_ref[0:1, :]
    be = vec_ref[1:2, :]
    b2 = vec_ref[2:3, :]
    mnorm = g * (m - mu) / jnp.sqrt(var + 1e-5) + be
    y = jnp.maximum(mnorm, 0.0)
    y = jnp.dot(y, w2_ref[...], preferred_element_type=jnp.float32) + b2

    @pl.when(k == 0)
    def _():
        out_ref[...] = y

    @pl.when(k > 0)
    def _():
        out_ref[...] = jnp.maximum(out_ref[...], y)


def _mlp_body(x1_ref, x2_ref, x3_ref,
              w1_ref, b1_ref, w2_ref, b2_ref,
              w3_ref, b3_ref, w4_ref, b4_ref, out_ref):
    h = jnp.concatenate([x1_ref[...], x2_ref[...], x3_ref[...]], axis=1)
    h = jnp.maximum(jnp.dot(h, w1_ref[...], preferred_element_type=jnp.float32)
                    + b1_ref[0:1, :], 0.0)
    h = jnp.maximum(jnp.dot(h, w2_ref[...], preferred_element_type=jnp.float32)
                    + b2_ref[0:1, :], 0.0)
    h = jnp.maximum(jnp.dot(h, w3_ref[...], preferred_element_type=jnp.float32)
                    + b3_ref[0:1, :], 0.0)
    z = jnp.dot(h, w4_ref[...], preferred_element_type=jnp.float32) + b4_ref[0:1, :]
    zmax = jnp.max(z, axis=1, keepdims=True)
    ez = jnp.exp(z - zmax)
    lse = jnp.log(jnp.sum(ez, axis=1, keepdims=True)) + zmax
    out_ref[...] = z - lse



def _dist_call(hp, ht, wa, wb, vec):
    grid = NP // RB
    return pl.pallas_call(
        _dist_body,
        grid=(grid,),
        in_specs=[
            pl.BlockSpec((RB, DP), lambda i: (i, 0)),
            pl.BlockSpec((DP, NP), lambda i: (0, 0)),
            pl.BlockSpec((DP, H), lambda i: (0, 0)),
            pl.BlockSpec((DP, DP), lambda i: (0, 0)),
            pl.BlockSpec((8, H), lambda i: (0, 0)),
        ],
        out_specs=[
            pl.BlockSpec((RB, K), lambda i: (i, 0)),
            pl.BlockSpec((RB, DP), lambda i: (i, 0)),
            pl.BlockSpec((RB, H), lambda i: (i, 0)),
        ],
        out_shape=[
            jax.ShapeDtypeStruct((NP, K), jnp.int32),
            jax.ShapeDtypeStruct((NP, DP), jnp.float32),
            jax.ShapeDtypeStruct((NP, H), jnp.float32),
        ],
    )(hp, ht, wa, wb, vec)


def _stats_call(uj, c):
    return pl.pallas_call(
        _stats_body,
        grid=(K, NG),
        in_specs=[
            pl.BlockSpec((NB, DP), lambda k, n: (k * NG + n, 0)),
            pl.BlockSpec((NB, H), lambda k, n: (n, 0)),
        ],
        out_specs=pl.BlockSpec((8, H), lambda k, n: (0, 0)),
        out_shape=jax.ShapeDtypeStruct((8, H), jnp.float32),
    )(uj, c)


def _out_call(uj, c, stats, vec, w2):
    return pl.pallas_call(
        _out_body,
        grid=(NG, K),
        in_specs=[
            pl.BlockSpec((NB, DP), lambda n, k: (k * NG + n, 0)),
            pl.BlockSpec((NB, H), lambda n, k: (n, 0)),
            pl.BlockSpec((8, H), lambda n, k: (0, 0)),
            pl.BlockSpec((8, H), lambda n, k: (0, 0)),
            pl.BlockSpec((H, H), lambda n, k: (0, 0)),
        ],
        out_specs=pl.BlockSpec((NB, H), lambda n, k: (n, 0)),
        out_shape=jax.ShapeDtypeStruct((N, H), jnp.float32),
    )(uj, c, stats, vec, w2)


def _mlp_call(x1, x2, x3, w1, b1, w2, b2, w3, b3, w4, b4):
    mb = 400
    grid = N // mb
    row = lambda i: (i, 0)
    cst = lambda i: (0, 0)
    return pl.pallas_call(
        _mlp_body,
        grid=(grid,),
        in_specs=[
            pl.BlockSpec((mb, H), row),
            pl.BlockSpec((mb, H), row),
            pl.BlockSpec((mb, H), row),
            pl.BlockSpec((192, 128), cst),
            pl.BlockSpec((8, 128), cst),
            pl.BlockSpec((128, 64), cst),
            pl.BlockSpec((8, 64), cst),
            pl.BlockSpec((64, 32), cst),
            pl.BlockSpec((8, 32), cst),
            pl.BlockSpec((32, 2), cst),
            pl.BlockSpec((8, 2), cst),
        ],
        out_specs=pl.BlockSpec((mb, 2), row),
        out_shape=jax.ShapeDtypeStruct((N, 2), jnp.float32),
    )(x1, x2, x3, w1, b1, w2, b2, w3, b3, w4, b4)



def _make_sc_gather():
    info = plsc.get_sparse_core_info()
    nc = info.num_cores
    nw = nc * info.num_subcores
    chunks_per_w = EPAD // (nw * CH)
    mesh = plsc.VectorSubcoreMesh(core_axis_name="c", subcore_axis_name="s")

    nbuf = 4
    groups = chunks_per_w // nbuf
    per_w = chunks_per_w * CH

    @functools.partial(
        pl.kernel, mesh=mesh,
        out_type=jax.ShapeDtypeStruct((EPAD, DP), jnp.float32),
        scratch_types=(
            [pltpu.VMEM((per_w,), jnp.int32)]
            + [pltpu.VMEM((CH, DP), jnp.float32) for _ in range(nbuf)]
            + [pltpu.SemaphoreType.DMA] * 2
        ),
    )
    def gather(u_hbm, idx_hbm, out_hbm, idx_v, *refs):
        rows_v = refs[:nbuf]
        sem_g, sem_s = refs[nbuf:]
        wid = lax.axis_index("s") * nc + lax.axis_index("c")
        base = wid * per_w
        pltpu.sync_copy(idx_hbm.at[pl.ds(base, per_w)], idx_v)

        def g_copy(t, b):
            return pltpu.make_async_copy(
                u_hbm.at[idx_v.at[pl.ds(t * CH, CH)]], rows_v[b], sem_g)

        def s_copy(t, b):
            return pltpu.make_async_copy(
                rows_v[b], out_hbm.at[pl.ds(base + t * CH, CH)], sem_s)

        for b in range(nbuf):
            g_copy(b, b).start()

        def group(g, carry):
            for b in range(nbuf):
                t = g * nbuf + b
                g_copy(t, b).wait()
                s_copy(t, b).start()
            for b in range(nbuf):
                t = g * nbuf + b
                s_copy(t, b).wait()

                @pl.when(g < groups - 1)
                def _():
                    g_copy(t + nbuf, b).start()

            return carry

        lax.fori_loop(0, groups, group, 0)

    return gather


_sc_gather_cache = []


def _sc_gather(u, idx):
    if not _sc_gather_cache:
        _sc_gather_cache.append(_make_sc_gather())
    return _sc_gather_cache[0](u, idx)



def _vec8(*rows, width=H):
    v = jnp.zeros((8, width), jnp.float32)
    for r, x in enumerate(rows):
        v = v.at[r].set(x)
    return v


def _edge_layer(h, w1, b1, g, be, w2, b2):
    d = h.shape[1]
    wa = jnp.pad(w1[:d], ((0, DP - d), (0, 0)))
    wb = jnp.pad(w1[d:], ((0, DP - d), (0, DP - H)))
    hp = jnp.pad(h, ((0, NP - N), (0, DP - d)))
    ht = hp.T
    idxp, u_p, c_p = _dist_call(hp, ht, wa, wb, _vec8(b1))
    idx_km = idxp[:N].T.reshape(-1)
    idx_pad = jnp.pad(idx_km, (0, EPAD - E))
    uj = _sc_gather(u_p, idx_pad)
    stats = _stats_call(uj, c_p)
    return _out_call(uj, c_p, stats, _vec8(g, be, b2), w2)


def kernel(x, batch, c1_W1, c1_b1, c1_g, c1_be, c1_W2, c1_b2,
           c2_W1, c2_b1, c2_g, c2_be, c2_W2, c2_b2,
           c3_W1, c3_b1, c3_g, c3_be, c3_W2, c3_b2,
           m_W1, m_b1, m_W2, m_b2, m_W3, m_b3, m_W4, m_b4):
    x1 = _edge_layer(x, c1_W1, c1_b1, c1_g, c1_be, c1_W2, c1_b2)
    x2 = _edge_layer(x1, c2_W1, c2_b1, c2_g, c2_be, c2_W2, c2_b2)
    x3 = _edge_layer(x2, c3_W1, c3_b1, c3_g, c3_be, c3_W2, c3_b2)
    return _mlp_call(x1, x2, x3,
                     m_W1, _vec8(m_b1, width=128),
                     m_W2, _vec8(m_b2, width=64),
                     m_W3, _vec8(m_b3, width=32),
                     m_W4, _vec8(m_b4, width=2))

# --- scband reference (transcript-rebuilt; emitter-appended) ---
"""Pipeline reference for scband-net-73624329388059 (READ-ONLY COPY).

The authoritative reference and input builder live on the scoring server;
editing this copy changes nothing except your own understanding.
"""

import jax, jax.numpy as jnp
import numpy as np

N = 10000
K = 16
NC1 = 64; NC2 = 64; NC3 = 64
NM1 = 128; NM2 = 64; NM3 = 32
OUT = 2


def _lin_init(key, fan_in, fan_out):
    s = 1.0 / np.sqrt(fan_in)
    kw, kb = jax.random.split(key)
    W = jax.random.uniform(kw, (fan_in, fan_out), minval=-s, maxval=s, dtype=jnp.float32)
    b = jax.random.uniform(kb, (fan_out,), minval=-s, maxval=s, dtype=jnp.float32)
    return W, b


def setup_inputs(seed: int = 0) -> dict:
    key = jax.random.key(seed)
    keys = jax.random.split(key, 16)
    inp = {}
    inp["x"] = jax.random.normal(keys[0], (N, 1), dtype=jnp.float32)
    inp["batch"] = jnp.zeros((N,), dtype=jnp.int32)  # single graph
    conv_dims = [(2 * 1, NC1), (2 * NC1, NC2), (2 * NC2, NC3)]
    for i, (din, h) in enumerate(conv_dims, start=1):
        W1, b1 = _lin_init(keys[2 * i], din, h)
        W2, b2 = _lin_init(keys[2 * i + 1], h, h)
        inp[f"c{i}_W1"] = W1
        inp[f"c{i}_b1"] = b1
        inp[f"c{i}_g"] = jnp.ones((h,), dtype=jnp.float32)
        inp[f"c{i}_be"] = jnp.zeros((h,), dtype=jnp.float32)
        inp[f"c{i}_W2"] = W2
        inp[f"c{i}_b2"] = b2
    mlp_dims = [(NC1 + NC2 + NC3, NM1), (NM1, NM2), (NM2, NM3), (NM3, OUT)]
    for j, (din, dout) in enumerate(mlp_dims, start=1):
        W, b = _lin_init(keys[7 + j], din, dout)
        inp[f"m_W{j}"] = W
        inp[f"m_b{j}"] = b
    return inp


def _edge_conv(h, W1, b1, g, be, W2, b2):
    # DynamicEdgeConv: kNN graph rebuilt from current features (single graph: batch all zeros)
    n, d = h.shape
    sq = jnp.sum(h * h, axis=1)
    d2 = sq[:, None] + sq[None, :] - 2.0 * (h @ h.T)
    _, idx = jax.lax.top_k(-d2, K)  # [n, K] nearest neighbors (includes self, as PyG knn)
    hi = jnp.broadcast_to(h[:, None, :], (n, K, d))
    hj = h[idx]  # gather neighbor features
    m = jnp.concatenate([hi, hj - hi], axis=-1).reshape(n * K, 2 * d)
    # PyG MLP([2d, h, h]): Linear -> BatchNorm (training stats) -> ReLU -> Linear (plain last)
    m = m @ W1 + b1
    mu = jnp.mean(m, axis=0)
    var = jnp.var(m, axis=0)
    m = g * (m - mu) / jnp.sqrt(var + 1e-5) + be
    m = jax.nn.relu(m)
    m = m @ W2 + b2
    # aggr = 'max' over neighbors
    return jnp.max(m.reshape(n, K, -1), axis=1)


def reference(x, batch, c1_W1, c1_b1, c1_g, c1_be, c1_W2, c1_b2,
              c2_W1, c2_b1, c2_g, c2_be, c2_W2, c2_b2,
              c3_W1, c3_b1, c3_g, c3_be, c3_W2, c3_b2,
              m_W1, m_b1, m_W2, m_b2, m_W3, m_b3, m_W4, m_b4):
    x1 = _edge_conv(x, c1_W1, c1_b1, c1_g, c1_be, c1_W2, c1_b2)
    x2 = _edge_conv(x1, c2_W1, c2_b1, c2_g, c2_be, c2_W2, c2_b2)
    x3 = _edge_conv(x2, c3_W1, c3_b1, c3_g, c3_be, c3_W2, c3_b2)
    h = jnp.concatenate([x1, x2, x3], axis=1)
    # MLP([192,128,64,32,2], norm=None, dropout=0.5): eval mode -> dropout identity
    h = jax.nn.relu(h @ m_W1 + m_b1)
    h = jax.nn.relu(h @ m_W2 + m_b2)
    h = jax.nn.relu(h @ m_W3 + m_b3)
    h = h @ m_W4 + m_b4
    return jax.nn.log_softmax(h, axis=1)

if __name__ == "__main__":
    import jax
    _d = setup_inputs()
    print(jax.jit(kernel)(*tuple(_d.values())))

</pallas_src>

<mosaic_0001>
#map = affine_map<(d0, d1) -> (0, 0)>
#map1 = affine_map<(d0, d1) -> (0)>
module attributes {stable_mosaic.version = 14 : i64} {
  func.func @gather(%arg0: i32, %arg1: i32, %arg2: memref<10112x128xf32, #tpu.memory_space<hbm>>, %arg3: memref<163840xi32, #tpu.memory_space<hbm>>, %arg4: memref<163840x128xf32, #tpu.memory_space<hbm>>, %arg5: memref<5120xi32, #tpu.memory_space<vmem>>, %arg6: memref<128x128xf32, #tpu.memory_space<vmem>>, %arg7: memref<128x128xf32, #tpu.memory_space<vmem>>, %arg8: memref<128x128xf32, #tpu.memory_space<vmem>>, %arg9: memref<128x128xf32, #tpu.memory_space<vmem>>, %arg10: memref<!tpu.dma_semaphore, #tpu.memory_space<semaphore_mem>>, %arg11: memref<!tpu.dma_semaphore, #tpu.memory_space<semaphore_mem>>) attributes {dimension_semantics = [#tpu.dimension_semantics<core_parallel>, #tpu.dimension_semantics<subcore_parallel>], iteration_bounds = array<i64: 2, 16>, scalar_prefetch = 0 : i64, scratch_operands = 7 : i64, tpu.core_type = #tpu.core_type<sc_vector_subcore>, window_params = [{transform_indices = #map}, {transform_indices = #map1}, {transform_indices = #map}]} {
    %mul3A = arith.constant 2 : i32
    %mul3A_0 = arith.muli %arg1, %mul3A : i32
    %add3A = arith.addi %mul3A_0, %arg0 : i32
    %mul3A_1 = arith.constant 5120 : i32
    %mul3A_2 = arith.muli %add3A, %mul3A_1 : i32
    "tpu.region"() ({
      %run_scoped3A = tpu.sem_alloc : memref<!tpu.dma_semaphore, #tpu.memory_space<semaphore_mem>>
      %dma_start3A_27 = tpu.memref_slice %arg3[%mul3A_2] : memref<163840xi32, #tpu.memory_space<hbm>> -> memref<5120xi32, #tpu.memory_space<hbm>>
      %dma_start3A_28 = tpu.memref_slice %arg3[%mul3A_2] : memref<163840xi32, #tpu.memory_space<hbm>> -> memref<5120xi32, #tpu.memory_space<hbm>>
      tpu.enqueue_dma source(%dma_start3A_28 : memref<5120xi32, #tpu.memory_space<hbm>>) target(%arg5 : memref<5120xi32, #tpu.memory_space<vmem>>) target_semaphore(%run_scoped3A : memref<!tpu.dma_semaphore, #tpu.memory_space<semaphore_mem>>)
      %dma_wait3A = tpu.memref_slice %arg3[%mul3A_2] : memref<163840xi32, #tpu.memory_space<hbm>> -> memref<5120xi32, #tpu.memory_space<hbm>>
      %dma_wait3A_29 = tpu.memref_slice %arg3[%mul3A_2] : memref<163840xi32, #tpu.memory_space<hbm>> -> memref<5120xi32, #tpu.memory_space<hbm>>
      tpu.wait_dma2 semaphore(%run_scoped3A : memref<!tpu.dma_semaphore, #tpu.memory_space<semaphore_mem>>) src(%dma_wait3A_29 : memref<5120xi32, #tpu.memory_space<hbm>>) dst(%arg5 : memref<5120xi32, #tpu.memory_space<vmem>>)
      tpu.yield
    }) : () -> ()
    %dma_start3A = arith.constant 0 : i32
    %dma_start3A_3 = tpu.memref_slice %arg5[%dma_start3A] : memref<5120xi32, #tpu.memory_space<vmem>> -> memref<128xi32, #tpu.memory_space<vmem>>
    %dma_start3A_4 = arith.constant 0 : i32
    %dma_start3A_5 = arith.constant 0 : i32
    %dma_start3A_6 = tpu.memref_slice %arg2[%dma_start3A_4, %dma_start3A_5] : memref<10112x128xf32, #tpu.memory_space<hbm>> -> memref<10112x128xf32, #tpu.memory_space<hbm>>
    tpu.enqueue_indirect_dma source(%dma_start3A_6 : memref<10112x128xf32, #tpu.memory_space<hbm>>) target(%arg6 : memref<128x128xf32, #tpu.memory_space<vmem>>) offsets(%dma_start3A_3 : memref<128xi32, #tpu.memory_space<vmem>>) semaphore(%arg10 : memref<!tpu.dma_semaphore, #tpu.memory_space<semaphore_mem>>)
    %dma_start3A_7 = arith.constant 128 : i32
    %dma_start3A_8 = tpu.memref_slice %arg5[%dma_start3A_7] : memref<5120xi32, #tpu.memory_space<vmem>> -> memref<128xi32, #tpu.memory_space<vmem>>
    %dma_start3A_9 = arith.constant 0 : i32
    %dma_start3A_10 = arith.constant 0 : i32
    %dma_start3A_11 = tpu.memref_slice %arg2[%dma_start3A_9, %dma_start3A_10] : memref<10112x128xf32, #tpu.memory_space<hbm>> -> memref<10112x128xf32, #tpu.memory_space<hbm>>
    tpu.enqueue_indirect_dma source(%dma_start3A_11 : memref<10112x128xf32, #tpu.memory_space<hbm>>) target(%arg7 : memref<128x128xf32, #tpu.memory_space<vmem>>) offsets(%dma_start3A_8 : memref<128xi32, #tpu.memory_space<vmem>>) semaphore(%arg10 : memref<!tpu.dma_semaphore, #tpu.memory_space<semaphore_mem>>)
    %dma_start3A_12 = arith.constant 256 : i32
    %dma_start3A_13 = tpu.memref_slice %arg5[%dma_start3A_12] : memref<5120xi32, #tpu.memory_space<vmem>> -> memref<128xi32, #tpu.memory_space<vmem>>
    %dma_start3A_14 = arith.constant 0 : i32
    %dma_start3A_15 = arith.constant 0 : i32
    %dma_start3A_16 = tpu.memref_slice %arg2[%dma_start3A_14, %dma_start3A_15] : memref<10112x128xf32, #tpu.memory_space<hbm>> -> memref<10112x128xf32, #tpu.memory_space<hbm>>
    tpu.enqueue_indirect_dma source(%dma_start3A_16 : memref<10112x128xf32, #tpu.memory_space<hbm>>) target(%arg8 : memref<128x128xf32, #tpu.memory_space<vmem>>) offsets(%dma_start3A_13 : memref<128xi32, #tpu.memory_space<vmem>>) semaphore(%arg10 : memref<!tpu.dma_semaphore, #tpu.memory_space<semaphore_mem>>)
    %dma_start3A_17 = arith.constant 384 : i32
    %dma_start3A_18 = tpu.memref_slice %arg5[%dma_start3A_17] : memref<5120xi32, #tpu.memory_space<vmem>> -> memref<128xi32, #tpu.memory_space<vmem>>
    %dma_start3A_19 = arith.constant 0 : i32
    %dma_start3A_20 = arith.constant 0 : i32
    %dma_start3A_21 = tpu.memref_slice %arg2[%dma_start3A_19, %dma_start3A_20] : memref<10112x128xf32, #tpu.memory_space<hbm>> -> memref<10112x128xf32, #tpu.memory_space<hbm>>
    tpu.enqueue_indirect_dma source(%dma_start3A_21 : memref<10112x128xf32, #tpu.memory_space<hbm>>) target(%arg9 : memref<128x128xf32, #tpu.memory_space<vmem>>) offsets(%dma_start3A_18 : memref<128xi32, #tpu.memory_space<vmem>>) semaphore(%arg10 : memref<!tpu.dma_semaphore, #tpu.memory_space<semaphore_mem>>)
    %scan3A = arith.constant 0 : i32
    %scan3A_22 = arith.constant 0 : i32
    %scan3A_23 = arith.constant 10 : i32
    %scan3A_24 = arith.addi %scan3A_22, %scan3A_23 : i32
    %scan3A_25 = arith.constant 1 : i32
    scf.for %scan3A_27 = %scan3A_22 to %scan3A_24 step %scan3A_25  : i32 {
      %mul3A_28 = arith.constant 4 : i32
      %mul3A_29 = arith.muli %scan3A_27, %mul3A_28 : i32
      %add3A_30 = arith.constant 0 : i32
      %add3A_31 = arith.addi %mul3A_29, %add3A_30 : i32
      %mul3A_32 = arith.constant 128 : i32
      %mul3A_33 = arith.muli %add3A_31, %mul3A_32 : i32
      %dma_wait3A = tpu.memref_slice %arg5[%mul3A_33] : memref<5120xi32, #tpu.memory_space<vmem>> -> memref<128xi32, #tpu.memory_space<vmem>>
      %dma_wait3A_34 = arith.constant 0 : i32
      %dma_wait3A_35 = arith.constant 0 : i32
      %dma_wait3A_36 = tpu.memref_slice %arg2[%dma_wait3A_34, %dma_wait3A_35] : memref<10112x128xf32, #tpu.memory_space<hbm>> -> memref<10112x128xf32, #tpu.memory_space<hbm>>
      tpu.wait_indirect_dma semaphore(%arg10 : memref<!tpu.dma_semaphore, #tpu.memory_space<semaphore_mem>>) src(%dma_wait3A_36 : memref<10112x128xf32, #tpu.memory_space<hbm>>) dst(%arg6 : memref<128x128xf32, #tpu.memory_space<vmem>>)
      %mul3A_37 = arith.constant 128 : i32
      %mul3A_38 = arith.muli %add3A_31, %mul3A_37 : i32
      %add3A_39 = arith.addi %mul3A_2, %mul3A_38 : i32
      %dma_start3A_40 = arith.constant 0 : i32
      %dma_start3A_41 = tpu.memref_slice %arg4[%add3A_39, %dma_start3A_40] : memref<163840x128xf32, #tpu.memory_space<hbm>> -> memref<128x128xf32, #tpu.memory_space<hbm>>
      %dma_start3A_42 = arith.constant 0 : i32
      %dma_start3A_43 = tpu.memref_slice %arg4[%add3A_39, %dma_start3A_42] : memref<163840x128xf32, #tpu.memory_space<hbm>> -> memref<128x128xf32, #tpu.memory_space<hbm>>
      tpu.enqueue_dma source(%arg6 : memref<128x128xf32, #tpu.memory_space<vmem>>) target(%dma_start3A_43 : memref<128x128xf32, #tpu.memory_space<hbm>>) target_semaphore(%arg11 : memref<!tpu.dma_semaphore, #tpu.memory_space<semaphore_mem>>)
      %mul3A_44 = arith.constant 4 : i32
      %mul3A_45 = arith.muli %scan3A_27, %mul3A_44 : i32
      %add3A_46 = arith.constant 1 : i32
      %add3A_47 = arith.addi %mul3A_45, %add3A_46 : i32
      %mul3A_48 = arith.constant 128 : i32
      %mul3A_49 = arith.muli %add3A_47, %mul3A_48 : i32
      %dma_wait3A_50 = tpu.memref_slice %arg5[%mul3A_49] : memref<5120xi32, #tpu.memory_space<vmem>> -> memref<128xi32, #tpu.memory_space<vmem>>
      %dma_wait3A_51 = arith.constant 0 : i32
      %dma_wait3A_52 = arith.constant 0 : i32
      %dma_wait3A_53 = tpu.memref_slice %arg2[%dma_wait3A_51, %dma_wait3A_52] : memref<10112x128xf32, #tpu.memory_space<hbm>> -> memref<10112x128xf32, #tpu.memory_space<hbm>>
      tpu.wait_indirect_dma semaphore(%arg10 : memref<!tpu.dma_semaphore, #tpu.memory_space<semaphore_mem>>) src(%dma_wait3A_53 : memref<10112x128xf32, #tpu.memory_space<hbm>>) dst(%arg7 : memref<128x128xf32, #tpu.memory_space<vmem>>)
      %mul3A_54 = arith.constant 128 : i32
      %mul3A_55 = arith.muli %add3A_47, %mul3A_54 : i32
      %add3A_56 = arith.addi %mul3A_2, %mul3A_55 : i32
      %dma_start3A_57 = arith.constant 0 : i32
      %dma_start3A_58 = tpu.memref_slice %arg4[%add3A_56, %dma_start3A_57] : memref<163840x128xf32, #tpu.memory_space<hbm>> -> memref<128x128xf32, #tpu.memory_space<hbm>>
      %dma_start3A_59 = arith.constant 0 : i32
      %dma_start3A_60 = tpu.memref_slice %arg4[%add3A_56, %dma_start3A_59] : memref<163840x128xf32, #tpu.memory_space<hbm>> -> memref<128x128xf32, #tpu.memory_space<hbm>>
      tpu.enqueue_dma source(%arg7 : memref<128x128xf32, #tpu.memory_space<vmem>>) target(%dma_start3A_60 : memref<128x128xf32, #tpu.memory_space<hbm>>) target_semaphore(%arg11 : memref<!tpu.dma_semaphore, #tpu.memory_space<semaphore_mem>>)
      %mul3A_61 = arith.constant 4 : i32
      %mul3A_62 = arith.muli %scan3A_27, %mul3A_61 : i32
      %add3A_63 = arith.constant 2 : i32
      %add3A_64 = arith.addi %mul3A_62, %add3A_63 : i32
      %mul3A_65 = arith.constant 128 : i32
      %mul3A_66 = arith.muli %add3A_64, %mul3A_65 : i32
      %dma_wait3A_67 = tpu.memref_slice %arg5[%mul3A_66] : memref<5120xi32, #tpu.memory_space<vmem>> -> memref<128xi32, #tpu.memory_space<vmem>>
      %dma_wait3A_68 = arith.constant 0 : i32
      %dma_wait3A_69 = arith.constant 0 : i32
      %dma_wait3A_70 = tpu.memref_slice %arg2[%dma_wait3A_68, %dma_wait3A_69] : memref<10112x128xf32, #tpu.memory_space<hbm>> -> memref<10112x128xf32, #tpu.memory_space<hbm>>
      tpu.wait_indirect_dma semaphore(%arg10 : memref<!tpu.dma_semaphore, #tpu.memory_space<semaphore_mem>>) src(%dma_wait3A_70 : memref<10112x128xf32, #tpu.memory_space<hbm>>) dst(%arg8 : memref<128x128xf32, #tpu.memory_space<vmem>>)
      %mul3A_71 = arith.constant 128 : i32
      %mul3A_72 = arith.muli %add3A_64, %mul3A_71 : i32
      %add3A_73 = arith.addi %mul3A_2, %mul3A_72 : i32
      %dma_start3A_74 = arith.constant 0 : i32
      %dma_start3A_75 = tpu.memref_slice %arg4[%add3A_73, %dma_start3A_74] : memref<163840x128xf32, #tpu.memory_space<hbm>> -> memref<128x128xf32, #tpu.memory_space<hbm>>
      %dma_start3A_76 = arith.constant 0 : i32
      %dma_start3A_77 = tpu.memref_slice %arg4[%add3A_73, %dma_start3A_76] : memref<163840x128xf32, #tpu.memory_space<hbm>> -> memref<128x128xf32, #tpu.memory_space<hbm>>
      tpu.enqueue_dma source(%arg8 : memref<128x128xf32, #tpu.memory_space<vmem>>) target(%dma_start3A_77 : memref<128x128xf32, #tpu.memory_space<hbm>>) target_semaphore(%arg11 : memref<!tpu.dma_semaphore, #tpu.memory_space<semaphore_mem>>)
      %mul3A_78 = arith.constant 4 : i32
      %mul3A_79 = arith.muli %scan3A_27, %mul3A_78 : i32
      %add3A_80 = arith.constant 3 : i32
      %add3A_81 = arith.addi %mul3A_79, %add3A_80 : i32
      %mul3A_82 = arith.constant 128 : i32
      %mul3A_83 = arith.muli %add3A_81, %mul3A_82 : i32
      %dma_wait3A_84 = tpu.memref_slice %arg5[%mul3A_83] : memref<5120xi32, #tpu.memory_space<vmem>> -> memref<128xi32, #tpu.memory_space<vmem>>
      %dma_wait3A_85 = arith.constant 0 : i32
      %dma_wait3A_86 = arith.constant 0 : i32
      %dma_wait3A_87 = tpu.memref_slice %arg2[%dma_wait3A_85, %dma_wait3A_86] : memref<10112x128xf32, #tpu.memory_space<hbm>> -> memref<10112x128xf32, #tpu.memory_space<hbm>>
      tpu.wait_indirect_dma semaphore(%arg10 : memref<!tpu.dma_semaphore, #tpu.memory_space<semaphore_mem>>) src(%dma_wait3A_87 : memref<10112x128xf32, #tpu.memory_space<hbm>>) dst(%arg9 : memref<128x128xf32, #tpu.memory_space<vmem>>)
      %mul3A_88 = arith.constant 128 : i32
      %mul3A_89 = arith.muli %add3A_81, %mul3A_88 : i32
      %add3A_90 = arith.addi %mul3A_2, %mul3A_89 : i32
      %dma_start3A_91 = arith.constant 0 : i32
      %dma_start3A_92 = tpu.memref_slice %arg4[%add3A_90, %dma_start3A_91] : memref<163840x128xf32, #tpu.memory_space<hbm>> -> memref<128x128xf32, #tpu.memory_space<hbm>>
      %dma_start3A_93 = arith.constant 0 : i32
      %dma_start3A_94 = tpu.memref_slice %arg4[%add3A_90, %dma_start3A_93] : memref<163840x128xf32, #tpu.memory_space<hbm>> -> memref<128x128xf32, #tpu.memory_space<hbm>>
      tpu.enqueue_dma source(%arg9 : memref<128x128xf32, #tpu.memory_space<vmem>>) target(%dma_start3A_94 : memref<128x128xf32, #tpu.memory_space<hbm>>) target_semaphore(%arg11 : memref<!tpu.dma_semaphore, #tpu.memory_space<semaphore_mem>>)
      %mul3A_95 = arith.constant 4 : i32
      %mul3A_96 = arith.muli %scan3A_27, %mul3A_95 : i32
      %add3A_97 = arith.constant 0 : i32
      %add3A_98 = arith.addi %mul3A_96, %add3A_97 : i32
      %mul3A_99 = arith.constant 128 : i32
      %mul3A_100 = arith.muli %add3A_98, %mul3A_99 : i32
      %add3A_101 = arith.addi %mul3A_2, %mul3A_100 : i32
      %dma_wait3A_102 = arith.constant 0 : i32
      %dma_wait3A_103 = tpu.memref_slice %arg4[%add3A_101, %dma_wait3A_102] : memref<163840x128xf32, #tpu.memory_space<hbm>> -> memref<128x128xf32, #tpu.memory_space<hbm>>
      %dma_wait3A_104 = arith.constant 0 : i32
      %dma_wait3A_105 = tpu.memref_slice %arg4[%add3A_101, %dma_wait3A_104] : memref<163840x128xf32, #tpu.memory_space<hbm>> -> memref<128x128xf32, #tpu.memory_space<hbm>>
      tpu.wait_dma2 semaphore(%arg11 : memref<!tpu.dma_semaphore, #tpu.memory_space<semaphore_mem>>) src(%arg6 : memref<128x128xf32, #tpu.memory_space<vmem>>) dst(%dma_wait3A_105 : memref<128x128xf32, #tpu.memory_space<hbm>>)
      %lt3A = arith.constant 9 : i32
      %lt3A_106 = arith.cmpi slt, %scan3A_27, %lt3A : i32
      %convert_element_type3A = arith.extui %lt3A_106 : i1 to i32
      %cond3A = arith.constant 0 : i32
      %cond3A_107 = arith.cmpi ne, %convert_element_type3A, %cond3A : i32
      scf.if %cond3A_107 {
        %add3A_156 = arith.constant 4 : i32
        %add3A_157 = arith.addi %add3A_98, %add3A_156 : i32
        %mul3A_158 = arith.constant 128 : i32
        %mul3A_159 = arith.muli %add3A_157, %mul3A_158 : i32
        %dma_start3A_160 = tpu.memref_slice %arg5[%mul3A_159] : memref<5120xi32, #tpu.memory_space<vmem>> -> memref<128xi32, #tpu.memory_space<vmem>>
        %dma_start3A_161 = arith.constant 0 : i32
        %dma_start3A_162 = arith.constant 0 : i32
        %dma_start3A_163 = tpu.memref_slice %arg2[%dma_start3A_161, %dma_start3A_162] : memref<10112x128xf32, #tpu.memory_space<hbm>> -> memref<10112x128xf32, #tpu.memory_space<hbm>>
        tpu.enqueue_indirect_dma source(%dma_start3A_163 : memref<10112x128xf32, #tpu.memory_space<hbm>>) target(%arg6 : memref<128x128xf32, #tpu.memory_space<vmem>>) offsets(%dma_start3A_160 : memref<128xi32, #tpu.memory_space<vmem>>) semaphore(%arg10 : memref<!tpu.dma_semaphore, #tpu.memory_space<semaphore_mem>>)
      } else {
      }
      %mul3A_108 = arith.constant 4 : i32
      %mul3A_109 = arith.muli %scan3A_27, %mul3A_108 : i32
      %add3A_110 = arith.constant 1 : i32
      %add3A_111 = arith.addi %mul3A_109, %add3A_110 : i32
      %mul3A_112 = arith.constant 128 : i32
      %mul3A_113 = arith.muli %add3A_111, %mul3A_112 : i32
      %add3A_114 = arith.addi %mul3A_2, %mul3A_113 : i32
      %dma_wait3A_115 = arith.constant 0 : i32
      %dma_wait3A_116 = tpu.memref_slice %arg4[%add3A_114, %dma_wait3A_115] : memref<163840x128xf32, #tpu.memory_space<hbm>> -> memref<128x128xf32, #tpu.memory_space<hbm>>
      %dma_wait3A_117 = arith.constant 0 : i32
      %dma_wait3A_118 = tpu.memref_slice %arg4[%add3A_114, %dma_wait3A_117] : memref<163840x128xf32, #tpu.memory_space<hbm>> -> memref<128x128xf32, #tpu.memory_space<hbm>>
      tpu.wait_dma2 semaphore(%arg11 : memref<!tpu.dma_semaphore, #tpu.memory_space<semaphore_mem>>) src(%arg7 : memref<128x128xf32, #tpu.memory_space<vmem>>) dst(%dma_wait3A_118 : memref<128x128xf32, #tpu.memory_space<hbm>>)
      %lt3A_119 = arith.constant 9 : i32
      %lt3A_120 = arith.cmpi slt, %scan3A_27, %lt3A_119 : i32
      %convert_element_type3A_121 = arith.extui %lt3A_120 : i1 to i32
      %cond3A_122 = arith.constant 0 : i32
      %cond3A_123 = arith.cmpi ne, %convert_element_type3A_121, %cond3A_122 : i32
      scf.if %cond3A_123 {
        %add3A_156 = arith.constant 4 : i32
        %add3A_157 = arith.addi %add3A_111, %add3A_156 : i32
        %mul3A_158 = arith.constant 128 : i32
        %mul3A_159 = arith.muli %add3A_157, %mul3A_158 : i32
        %dma_start3A_160 = tpu.memref_slice %arg5[%mul3A_159] : memref<5120xi32, #tpu.memory_space<vmem>> -> memref<128xi32, #tpu.memory_space<vmem>>
        %dma_start3A_161 = arith.constant 0 : i32
        %dma_start3A_162 = arith.constant 0 : i32
        %dma_start3A_163 = tpu.memref_slice %arg2[%dma_start3A_161, %dma_start3A_162] : memref<10112x128xf32, #tpu.memory_space<hbm>> -> memref<10112x128xf32, #tpu.memory_space<hbm>>
        tpu.enqueue_indirect_dma source(%dma_start3A_163 : memref<10112x128xf32, #tpu.memory_space<hbm>>) target(%arg7 : memref<128x128xf32, #tpu.memory_space<vmem>>) offsets(%dma_start3A_160 : memref<128xi32, #tpu.memory_space<vmem>>) semaphore(%arg10 : memref<!tpu.dma_semaphore, #tpu.memory_space<semaphore_mem>>)
      } else {
      }
      %mul3A_124 = arith.constant 4 : i32
      %mul3A_125 = arith.muli %scan3A_27, %mul3A_124 : i32
      %add3A_126 = arith.constant 2 : i32
      %add3A_127 = arith.addi %mul3A_125, %add3A_126 : i32
      %mul3A_128 = arith.constant 128 : i32
      %mul3A_129 = arith.muli %add3A_127, %mul3A_128 : i32
      %add3A_130 = arith.addi %mul3A_2, %mul3A_129 : i32
      %dma_wait3A_131 = arith.constant 0 : i32
      %dma_wait3A_132 = tpu.memref_slice %arg4[%add3A_130, %dma_wait3A_131] : memref<163840x128xf32, #tpu.memory_space<hbm>> -> memref<128x128xf32, #tpu.memory_space<hbm>>
      %dma_wait3A_133 = arith.constant 0 : i32
      %dma_wait3A_134 = tpu.memref_slice %arg4[%add3A_130, %dma_wait3A_133] : memref<163840x128xf32, #tpu.memory_space<hbm>> -> memref<128x128xf32, #tpu.memory_space<hbm>>
      tpu.wait_dma2 semaphore(%arg11 : memref<!tpu.dma_semaphore, #tpu.memory_space<semaphore_mem>>) src(%arg8 : memref<128x128xf32, #tpu.memory_space<vmem>>) dst(%dma_wait3A_134 : memref<128x128xf32, #tpu.memory_space<hbm>>)
      %lt3A_135 = arith.constant 9 : i32
      %lt3A_136 = arith.cmpi slt, %scan3A_27, %lt3A_135 : i32
      %convert_element_type3A_137 = arith.extui %lt3A_136 : i1 to i32
      %cond3A_138 = arith.constant 0 : i32
      %cond3A_139 = arith.cmpi ne, %convert_element_type3A_137, %cond3A_138 : i32
      scf.if %cond3A_139 {
        %add3A_156 = arith.constant 4 : i32
        %add3A_157 = arith.addi %add3A_127, %add3A_156 : i32
        %mul3A_158 = arith.constant 128 : i32
        %mul3A_159 = arith.muli %add3A_157, %mul3A_158 : i32
        %dma_start3A_160 = tpu.memref_slice %arg5[%mul3A_159] : memref<5120xi32, #tpu.memory_space<vmem>> -> memref<128xi32, #tpu.memory_space<vmem>>
        %dma_start3A_161 = arith.constant 0 : i32
        %dma_start3A_162 = arith.constant 0 : i32
        %dma_start3A_163 = tpu.memref_slice %arg2[%dma_start3A_161, %dma_start3A_162] : memref<10112x128xf32, #tpu.memory_space<hbm>> -> memref<10112x128xf32, #tpu.memory_space<hbm>>
        tpu.enqueue_indirect_dma source(%dma_start3A_163 : memref<10112x128xf32, #tpu.memory_space<hbm>>) target(%arg8 : memref<128x128xf32, #tpu.memory_space<vmem>>) offsets(%dma_start3A_160 : memref<128xi32, #tpu.memory_space<vmem>>) semaphore(%arg10 : memref<!tpu.dma_semaphore, #tpu.memory_space<semaphore_mem>>)
      } else {
      }
      %mul3A_140 = arith.constant 4 : i32
      %mul3A_141 = arith.muli %scan3A_27, %mul3A_140 : i32
      %add3A_142 = arith.constant 3 : i32
      %add3A_143 = arith.addi %mul3A_141, %add3A_142 : i32
      %mul3A_144 = arith.constant 128 : i32
      %mul3A_145 = arith.muli %add3A_143, %mul3A_144 : i32
      %add3A_146 = arith.addi %mul3A_2, %mul3A_145 : i32
      %dma_wait3A_147 = arith.constant 0 : i32
      %dma_wait3A_148 = tpu.memref_slice %arg4[%add3A_146, %dma_wait3A_147] : memref<163840x128xf32, #tpu.memory_space<hbm>> -> memref<128x128xf32, #tpu.memory_space<hbm>>
      %dma_wait3A_149 = arith.constant 0 : i32
      %dma_wait3A_150 = tpu.memref_slice %arg4[%add3A_146, %dma_wait3A_149] : memref<163840x128xf32, #tpu.memory_space<hbm>> -> memref<128x128xf32, #tpu.memory_space<hbm>>
      tpu.wait_dma2 semaphore(%arg11 : memref<!tpu.dma_semaphore, #tpu.memory_space<semaphore_mem>>) src(%arg9 : memref<128x128xf32, #tpu.memory_space<vmem>>) dst(%dma_wait3A_150 : memref<128x128xf32, #tpu.memory_space<hbm>>)
      %lt3A_151 = arith.constant 9 : i32
      %lt3A_152 = arith.cmpi slt, %scan3A_27, %lt3A_151 : i32
      %convert_element_type3A_153 = arith.extui %lt3A_152 : i1 to i32
      %cond3A_154 = arith.constant 0 : i32
      %cond3A_155 = arith.cmpi ne, %convert_element_type3A_153, %cond3A_154 : i32
      scf.if %cond3A_155 {
        %add3A_156 = arith.constant 4 : i32
        %add3A_157 = arith.addi %add3A_143, %add3A_156 : i32
        %mul3A_158 = arith.constant 128 : i32
        %mul3A_159 = arith.muli %add3A_157, %mul3A_158 : i32
        %dma_start3A_160 = tpu.memref_slice %arg5[%mul3A_159] : memref<5120xi32, #tpu.memory_space<vmem>> -> memref<128xi32, #tpu.memory_space<vmem>>
        %dma_start3A_161 = arith.constant 0 : i32
        %dma_start3A_162 = arith.constant 0 : i32
        %dma_start3A_163 = tpu.memref_slice %arg2[%dma_start3A_161, %dma_start3A_162] : memref<10112x128xf32, #tpu.memory_space<hbm>> -> memref<10112x128xf32, #tpu.memory_space<hbm>>
        tpu.enqueue_indirect_dma source(%dma_start3A_163 : memref<10112x128xf32, #tpu.memory_space<hbm>>) target(%arg9 : memref<128x128xf32, #tpu.memory_space<vmem>>) offsets(%dma_start3A_160 : memref<128xi32, #tpu.memory_space<vmem>>) semaphore(%arg10 : memref<!tpu.dma_semaphore, #tpu.memory_space<semaphore_mem>>)
      } else {
      }
    }
    %scan3A_26 = arith.constant 10 : i32
    return
  }
}

#map = affine_map<(d0, d1) -> (0, 0)>
#map1 = affine_map<(d0, d1) -> (0)>
module attributes {stable_mosaic.version = 14 : i64} {
  func.func @gather(%arg0: i32, %arg1: i32, %arg2: memref<10112x128xf32, #tpu.memory_space<hbm>>, %arg3: memref<163840xi32, #tpu.memory_space<hbm>>, %arg4: memref<163840x128xf32, #tpu.memory_space<hbm>>, %arg5: memref<5120xi32, #tpu.memory_space<vmem>>, %arg6: memref<128x128xf32, #tpu.memory_space<vmem>>, %arg7: memref<128x128xf32, #tpu.memory_space<vmem>>, %arg8: memref<128x128xf32, #tpu.memory_space<vmem>>, %arg9: memref<128x128xf32, #tpu.memory_space<vmem>>, %arg10: memref<!tpu.dma_semaphore, #tpu.memory_space<semaphore_mem>>, %arg11: memref<!tpu.dma_semaphore, #tpu.memory_space<semaphore_mem>>) attributes {dimension_semantics = [#tpu.dimension_semantics<core_parallel>, #tpu.dimension_semantics<subcore_parallel>], iteration_bounds = array<i64: 2, 16>, scalar_prefetch = 0 : i64, scratch_operands = 7 : i64, tpu.core_type = #tpu.core_type<sc_vector_subcore>, window_params = [{transform_indices = #map}, {transform_indices = #map1}, {transform_indices = #map}]} {
    %mul3A = arith.constant 2 : i32
    %mul3A_0 = arith.muli %arg1, %mul3A : i32
    %add3A = arith.addi %mul3A_0, %arg0 : i32
    %mul3A_1 = arith.constant 5120 : i32
    %mul3A_2 = arith.muli %add3A, %mul3A_1 : i32
    "tpu.region"() ({
      %run_scoped3A = tpu.sem_alloc : memref<!tpu.dma_semaphore, #tpu.memory_space<semaphore_mem>>
      %dma_start3A_27 = tpu.memref_slice %arg3[%mul3A_2] : memref<163840xi32, #tpu.memory_space<hbm>> -> memref<5120xi32, #tpu.memory_space<hbm>>
      %dma_start3A_28 = tpu.memref_slice %arg3[%mul3A_2] : memref<163840xi32, #tpu.memory_space<hbm>> -> memref<5120xi32, #tpu.memory_space<hbm>>
      tpu.enqueue_dma source(%dma_start3A_28 : memref<5120xi32, #tpu.memory_space<hbm>>) target(%arg5 : memref<5120xi32, #tpu.memory_space<vmem>>) target_semaphore(%run_scoped3A : memref<!tpu.dma_semaphore, #tpu.memory_space<semaphore_mem>>)
      %dma_wait3A = tpu.memref_slice %arg3[%mul3A_2] : memref<163840xi32, #tpu.memory_space<hbm>> -> memref<5120xi32, #tpu.memory_space<hbm>>
      %dma_wait3A_29 = tpu.memref_slice %arg3[%mul3A_2] : memref<163840xi32, #tpu.memory_space<hbm>> -> memref<5120xi32, #tpu.memory_space<hbm>>
      tpu.wait_dma2 semaphore(%run_scoped3A : memref<!tpu.dma_semaphore, #tpu.memory_space<semaphore_mem>>) src(%dma_wait3A_29 : memref<5120xi32, #tpu.memory_space<hbm>>) dst(%arg5 : memref<5120xi32, #tpu.memory_space<vmem>>)
      tpu.yield
    }) : () -> ()
    %dma_start3A = arith.constant 0 : i32
    %dma_start3A_3 = tpu.memref_slice %arg5[%dma_start3A] : memref<5120xi32, #tpu.memory_space<vmem>> -> memref<128xi32, #tpu.memory_space<vmem>>
    %dma_start3A_4 = arith.constant 0 : i32
    %dma_start3A_5 = arith.constant 0 : i32
    %dma_start3A_6 = tpu.memref_slice %arg2[%dma_start3A_4, %dma_start3A_5] : memref<10112x128xf32, #tpu.memory_space<hbm>> -> memref<10112x128xf32, #tpu.memory_space<hbm>>
    tpu.enqueue_indirect_dma source(%dma_start3A_6 : memref<10112x128xf32, #tpu.memory_space<hbm>>) target(%arg6 : memref<128x128xf32, #tpu.memory_space<vmem>>) offsets(%dma_start3A_3 : memref<128xi32, #tpu.memory_space<vmem>>) semaphore(%arg10 : memref<!tpu.dma_semaphore, #tpu.memory_space<semaphore_mem>>)
    %dma_start3A_7 = arith.constant 128 : i32
    %dma_start3A_8 = tpu.memref_slice %arg5[%dma_start3A_7] : memref<5120xi32, #tpu.memory_space<vmem>> -> memref<128xi32, #tpu.memory_space<vmem>>
    %dma_start3A_9 = arith.constant 0 : i32
    %dma_start3A_10 = arith.constant 0 : i32
    %dma_start3A_11 = tpu.memref_slice %arg2[%dma_start3A_9, %dma_start3A_10] : memref<10112x128xf32, #tpu.memory_space<hbm>> -> memref<10112x128xf32, #tpu.memory_space<hbm>>
    tpu.enqueue_indirect_dma source(%dma_start3A_11 : memref<10112x128xf32, #tpu.memory_space<hbm>>) target(%arg7 : memref<128x128xf32, #tpu.memory_space<vmem>>) offsets(%dma_start3A_8 : memref<128xi32, #tpu.memory_space<vmem>>) semaphore(%arg10 : memref<!tpu.dma_semaphore, #tpu.memory_space<semaphore_mem>>)
    %dma_start3A_12 = arith.constant 256 : i32
    %dma_start3A_13 = tpu.memref_slice %arg5[%dma_start3A_12] : memref<5120xi32, #tpu.memory_space<vmem>> -> memref<128xi32, #tpu.memory_space<vmem>>
    %dma_start3A_14 = arith.constant 0 : i32
    %dma_start3A_15 = arith.constant 0 : i32
    %dma_start3A_16 = tpu.memref_slice %arg2[%dma_start3A_14, %dma_start3A_15] : memref<10112x128xf32, #tpu.memory_space<hbm>> -> memref<10112x128xf32, #tpu.memory_space<hbm>>
    tpu.enqueue_indirect_dma source(%dma_start3A_16 : memref<10112x128xf32, #tpu.memory_space<hbm>>) target(%arg8 : memref<128x128xf32, #tpu.memory_space<vmem>>) offsets(%dma_start3A_13 : memref<128xi32, #tpu.memory_space<vmem>>) semaphore(%arg10 : memref<!tpu.dma_semaphore, #tpu.memory_space<semaphore_mem>>)
    %dma_start3A_17 = arith.constant 384 : i32
    %dma_start3A_18 = tpu.memref_slice %arg5[%dma_start3A_17] : memref<5120xi32, #tpu.memory_space<vmem>> -> memref<128xi32, #tpu.memory_space<vmem>>
    %dma_start3A_19 = arith.constant 0 : i32
    %dma_start3A_20 = arith.constant 0 : i32
    %dma_start3A_21 = tpu.memref_slice %arg2[%dma_start3A_19, %dma_start3A_20] : memref<10112x128xf32, #tpu.memory_space<hbm>> -> memref<10112x128xf32, #tpu.memory_space<hbm>>
    tpu.enqueue_indirect_dma source(%dma_start3A_21 : memref<10112x128xf32, #tpu.memory_space<hbm>>) target(%arg9 : memref<128x128xf32, #tpu.memory_space<vmem>>) offsets(%dma_start3A_18 : memref<128xi32, #tpu.memory_space<vmem>>) semaphore(%arg10 : memref<!tpu.dma_semaphore, #tpu.memory_space<semaphore_mem>>)
    %scan3A = arith.constant 0 : i32
    %scan3A_22 = arith.constant 0 : i32
    %scan3A_23 = arith.constant 10 : i32
    %scan3A_24 = arith.addi %scan3A_22, %scan3A_23 : i32
    %scan3A_25 = arith.constant 1 : i32
    scf.for %scan3A_27 = %scan3A_22 to %scan3A_24 step %scan3A_25  : i32 {
      %mul3A_28 = arith.constant 4 : i32
      %mul3A_29 = arith.muli %scan3A_27, %mul3A_28 : i32
      %add3A_30 = arith.constant 0 : i32
      %add3A_31 = arith.addi %mul3A_29, %add3A_30 : i32
      %mul3A_32 = arith.constant 128 : i32
      %mul3A_33 = arith.muli %add3A_31, %mul3A_32 : i32
      %dma_wait3A = tpu.memref_slice %arg5[%mul3A_33] : memref<5120xi32, #tpu.memory_space<vmem>> -> memref<128xi32, #tpu.memory_space<vmem>>
      %dma_wait3A_34 = arith.constant 0 : i32
      %dma_wait3A_35 = arith.constant 0 : i32
      %dma_wait3A_36 = tpu.memref_slice %arg2[%dma_wait3A_34, %dma_wait3A_35] : memref<10112x128xf32, #tpu.memory_space<hbm>> -> memref<10112x128xf32, #tpu.memory_space<hbm>>
      tpu.wait_indirect_dma semaphore(%arg10 : memref<!tpu.dma_semaphore, #tpu.memory_space<semaphore_mem>>) src(%dma_wait3A_36 : memref<10112x128xf32, #tpu.memory_space<hbm>>) dst(%arg6 : memref<128x128xf32, #tpu.memory_space<vmem>>)
      %mul3A_37 = arith.constant 128 : i32
      %mul3A_38 = arith.muli %add3A_31, %mul3A_37 : i32
      %add3A_39 = arith.addi %mul3A_2, %mul3A_38 : i32
      %dma_start3A_40 = arith.constant 0 : i32
      %dma_start3A_41 = tpu.memref_slice %arg4[%add3A_39, %dma_start3A_40] : memref<163840x128xf32, #tpu.memory_space<hbm>> -> memref<128x128xf32, #tpu.memory_space<hbm>>
      %dma_start3A_42 = arith.constant 0 : i32
      %dma_start3A_43 = tpu.memref_slice %arg4[%add3A_39, %dma_start3A_42] : memref<163840x128xf32, #tpu.memory_space<hbm>> -> memref<128x128xf32, #tpu.memory_space<hbm>>
      tpu.enqueue_dma source(%arg6 : memref<128x128xf32, #tpu.memory_space<vmem>>) target(%dma_start3A_43 : memref<128x128xf32, #tpu.memory_space<hbm>>) target_semaphore(%arg11 : memref<!tpu.dma_semaphore, #tpu.memory_space<semaphore_mem>>)
      %mul3A_44 = arith.constant 4 : i32
      %mul3A_45 = arith.muli %scan3A_27, %mul3A_44 : i32
      %add3A_46 = arith.constant 1 : i32
      %add3A_47 = arith.addi %mul3A_45, %add3A_46 : i32
      %mul3A_48 = arith.constant 128 : i32
      %mul3A_49 = arith.muli %add3A_47, %mul3A_48 : i32
      %dma_wait3A_50 = tpu.memref_slice %arg5[%mul3A_49] : memref<5120xi32, #tpu.memory_space<vmem>> -> memref<128xi32, #tpu.memory_space<vmem>>
      %dma_wait3A_51 = arith.constant 0 : i32
      %dma_wait3A_52 = arith.constant 0 : i32
      %dma_wait3A_53 = tpu.memref_slice %arg2[%dma_wait3A_51, %dma_wait3A_52] : memref<10112x128xf32, #tpu.memory_space<hbm>> -> memref<10112x128xf32, #tpu.memory_space<hbm>>
      tpu.wait_indirect_dma semaphore(%arg10 : memref<!tpu.dma_semaphore, #tpu.memory_space<semaphore_mem>>) src(%dma_wait3A_53 : memref<10112x128xf32, #tpu.memory_space<hbm>>) dst(%arg7 : memref<128x128xf32, #tpu.memory_space<vmem>>)
      %mul3A_54 = arith.constant 128 : i32
      %mul3A_55 = arith.muli %add3A_47, %mul3A_54 : i32
      %add3A_56 = arith.addi %mul3A_2, %mul3A_55 : i32
      %dma_start3A_57 = arith.constant 0 : i32
      %dma_start3A_58 = tpu.memref_slice %arg4[%add3A_56, %dma_start3A_57] : memref<163840x128xf32, #tpu.memory_space<hbm>> -> memref<128x128xf32, #tpu.memory_space<hbm>>
      %dma_start3A_59 = arith.constant 0 : i32
      %dma_start3A_60 = tpu.memref_slice %arg4[%add3A_56, %dma_start3A_59] : memref<163840x128xf32, #tpu.memory_space<hbm>> -> memref<128x128xf32, #tpu.memory_space<hbm>>
      tpu.enqueue_dma source(%arg7 : memref<128x128xf32, #tpu.memory_space<vmem>>) target(%dma_start3A_60 : memref<128x128xf32, #tpu.memory_space<hbm>>) target_semaphore(%arg11 : memref<!tpu.dma_semaphore, #tpu.memory_space<semaphore_mem>>)
      %mul3A_61 = arith.constant 4 : i32
      %mul3A_62 = arith.muli %scan3A_27, %mul3A_61 : i32
      %add3A_63 = arith.constant 2 : i32
      %add3A_64 = arith.addi %mul3A_62, %add3A_63 : i32
      %mul3A_65 = arith.constant 128 : i32
      %mul3A_66 = arith.muli %add3A_64, %mul3A_65 : i32
      %dma_wait3A_67 = tpu.memref_slice %arg5[%mul3A_66] : memref<5120xi32, #tpu.memory_space<vmem>> -> memref<128xi32, #tpu.memory_space<vmem>>
      %dma_wait3A_68 = arith.constant 0 : i32
      %dma_wait3A_69 = arith.constant 0 : i32
      %dma_wait3A_70 = tpu.memref_slice %arg2[%dma_wait3A_68, %dma_wait3A_69] : memref<10112x128xf32, #tpu.memory_space<hbm>> -> memref<10112x128xf32, #tpu.memory_space<hbm>>
      tpu.wait_indirect_dma semaphore(%arg10 : memref<!tpu.dma_semaphore, #tpu.memory_space<semaphore_mem>>) src(%dma_wait3A_70 : memref<10112x128xf32, #tpu.memory_space<hbm>>) dst(%arg8 : memref<128x128xf32, #tpu.memory_space<vmem>>)
      %mul3A_71 = arith.constant 128 : i32
      %mul3A_72 = arith.muli %add3A_64, %mul3A_71 : i32
      %add3A_73 = arith.addi %mul3A_2, %mul3A_72 : i32
      %dma_start3A_74 = arith.constant 0 : i32
      %dma_start3A_75 = tpu.memref_slice %arg4[%add3A_73, %dma_start3A_74] : memref<163840x128xf32, #tpu.memory_space<hbm>> -> memref<128x128xf32, #tpu.memory_space<hbm>>
      %dma_start3A_76 = arith.constant 0 : i32
      %dma_start3A_77 = tpu.memref_slice %arg4[%add3A_73, %dma_start3A_76] : memref<163840x128xf32, #tpu.memory_space<hbm>> -> memref<128x128xf32, #tpu.memory_space<hbm>>
      tpu.enqueue_dma source(%arg8 : memref<128x128xf32, #tpu.memory_space<vmem>>) target(%dma_start3A_77 : memref<128x128xf32, #tpu.memory_space<hbm>>) target_semaphore(%arg11 : memref<!tpu.dma_semaphore, #tpu.memory_space<semaphore_mem>>)
      %mul3A_78 = arith.constant 4 : i32
      %mul3A_79 = arith.muli %scan3A_27, %mul3A_78 : i32
      %add3A_80 = arith.constant 3 : i32
      %add3A_81 = arith.addi %mul3A_79, %add3A_80 : i32
      %mul3A_82 = arith.constant 128 : i32
      %mul3A_83 = arith.muli %add3A_81, %mul3A_82 : i32
      %dma_wait3A_84 = tpu.memref_slice %arg5[%mul3A_83] : memref<5120xi32, #tpu.memory_space<vmem>> -> memref<128xi32, #tpu.memory_space<vmem>>
      %dma_wait3A_85 = arith.constant 0 : i32
      %dma_wait3A_86 = arith.constant 0 : i32
      %dma_wait3A_87 = tpu.memref_slice %arg2[%dma_wait3A_85, %dma_wait3A_86] : memref<10112x128xf32, #tpu.memory_space<hbm>> -> memref<10112x128xf32, #tpu.memory_space<hbm>>
      tpu.wait_indirect_dma semaphore(%arg10 : memref<!tpu.dma_semaphore, #tpu.memory_space<semaphore_mem>>) src(%dma_wait3A_87 : memref<10112x128xf32, #tpu.memory_space<hbm>>) dst(%arg9 : memref<128x128xf32, #tpu.memory_space<vmem>>)
      %mul3A_88 = arith.constant 128 : i32
      %mul3A_89 = arith.muli %add3A_81, %mul3A_88 : i32
      %add3A_90 = arith.addi %mul3A_2, %mul3A_89 : i32
      %dma_start3A_91 = arith.constant 0 : i32
      %dma_start3A_92 = tpu.memref_slice %arg4[%add3A_90, %dma_start3A_91] : memref<163840x128xf32, #tpu.memory_space<hbm>> -> memref<128x128xf32, #tpu.memory_space<hbm>>
      %dma_start3A_93 = arith.constant 0 : i32
      %dma_start3A_94 = tpu.memref_slice %arg4[%add3A_90, %dma_start3A_93] : memref<163840x128xf32, #tpu.memory_space<hbm>> -> memref<128x128xf32, #tpu.memory_space<hbm>>
      tpu.enqueue_dma source(%arg9 : memref<128x128xf32, #tpu.memory_space<vmem>>) target(%dma_start3A_94 : memref<128x128xf32, #tpu.memory_space<hbm>>) target_semaphore(%arg11 : memref<!tpu.dma_semaphore, #tpu.memory_space<semaphore_mem>>)
      %mul3A_95 = arith.constant 4 : i32
      %mul3A_96 = arith.muli %scan3A_27, %mul3A_95 : i32
      %add3A_97 = arith.constant 0 : i32
      %add3A_98 = arith.addi %mul3A_96, %add3A_97 : i32
      %mul3A_99 = arith.constant 128 : i32
      %mul3A_100 = arith.muli %add3A_98, %mul3A_99 : i32
      %add3A_101 = arith.addi %mul3A_2, %mul3A_100 : i32
      %dma_wait3A_102 = arith.constant 0 : i32
      %dma_wait3A_103 = tpu.memref_slice %arg4[%add3A_101, %dma_wait3A_102] : memref<163840x128xf32, #tpu.memory_space<hbm>> -> memref<128x128xf32, #tpu.memory_space<hbm>>
      %dma_wait3A_104 = arith.constant 0 : i32
      %dma_wait3A_105 = tpu.memref_slice %arg4[%add3A_101, %dma_wait3A_104] : memref<163840x128xf32, #tpu.memory_space<hbm>> -> memref<128x128xf32, #tpu.memory_space<hbm>>
      tpu.wait_dma2 semaphore(%arg11 : memref<!tpu.dma_semaphore, #tpu.memory_space<semaphore_mem>>) src(%arg6 : memref<128x128xf32, #tpu.memory_space<vmem>>) dst(%dma_wait3A_105 : memref<128x128xf32, #tpu.memory_space<hbm>>)
      %lt3A = arith.constant 9 : i32
      %lt3A_106 = arith.cmpi slt, %scan3A_27, %lt3A : i32
      %convert_element_type3A = arith.extui %lt3A_106 : i1 to i32
      %cond3A = arith.constant 0 : i32
      %cond3A_107 = arith.cmpi ne, %convert_element_type3A, %cond3A : i32
      scf.if %cond3A_107 {
        %add3A_156 = arith.constant 4 : i32
        %add3A_157 = arith.addi %add3A_98, %add3A_156 : i32
        %mul3A_158 = arith.constant 128 : i32
        %mul3A_159 = arith.muli %add3A_157, %mul3A_158 : i32
        %dma_start3A_160 = tpu.memref_slice %arg5[%mul3A_159] : memref<5120xi32, #tpu.memory_space<vmem>> -> memref<128xi32, #tpu.memory_space<vmem>>
        %dma_start3A_161 = arith.constant 0 : i32
        %dma_start3A_162 = arith.constant 0 : i32
        %dma_start3A_163 = tpu.memref_slice %arg2[%dma_start3A_161, %dma_start3A_162] : memref<10112x128xf32, #tpu.memory_space<hbm>> -> memref<10112x128xf32, #tpu.memory_space<hbm>>
        tpu.enqueue_indirect_dma source(%dma_start3A_163 : memref<10112x128xf32, #tpu.memory_space<hbm>>) target(%arg6 : memref<128x128xf32, #tpu.memory_space<vmem>>) offsets(%dma_start3A_160 : memref<128xi32, #tpu.memory_space<vmem>>) semaphore(%arg10 : memref<!tpu.dma_semaphore, #tpu.memory_space<semaphore_mem>>)
      } else {
      }
      %mul3A_108 = arith.constant 4 : i32
      %mul3A_109 = arith.muli %scan3A_27, %mul3A_108 : i32
      %add3A_110 = arith.constant 1 : i32
      %add3A_111 = arith.addi %mul3A_109, %add3A_110 : i32
      %mul3A_112 = arith.constant 128 : i32
      %mul3A_113 = arith.muli %add3A_111, %mul3A_112 : i32
      %add3A_114 = arith.addi %mul3A_2, %mul3A_113 : i32
      %dma_wait3A_115 = arith.constant 0 : i32
      %dma_wait3A_116 = tpu.memref_slice %arg4[%add3A_114, %dma_wait3A_115] : memref<163840x128xf32, #tpu.memory_space<hbm>> -> memref<128x128xf32, #tpu.memory_space<hbm>>
      %dma_wait3A_117 = arith.constant 0 : i32
      %dma_wait3A_118 = tpu.memref_slice %arg4[%add3A_114, %dma_wait3A_117] : memref<163840x128xf32, #tpu.memory_space<hbm>> -> memref<128x128xf32, #tpu.memory_space<hbm>>
      tpu.wait_dma2 semaphore(%arg11 : memref<!tpu.dma_semaphore, #tpu.memory_space<semaphore_mem>>) src(%arg7 : memref<128x128xf32, #tpu.memory_space<vmem>>) dst(%dma_wait3A_118 : memref<128x128xf32, #tpu.memory_space<hbm>>)
      %lt3A_119 = arith.constant 9 : i32
      %lt3A_120 = arith.cmpi slt, %scan3A_27, %lt3A_119 : i32
      %convert_element_type3A_121 = arith.extui %lt3A_120 : i1 to i32
      %cond3A_122 = arith.constant 0 : i32
      %cond3A_123 = arith.cmpi ne, %convert_element_type3A_121, %cond3A_122 : i32
      scf.if %cond3A_123 {
        %add3A_156 = arith.constant 4 : i32
        %add3A_157 = arith.addi %add3A_111, %add3A_156 : i32
        %mul3A_158 = arith.constant 128 : i32
        %mul3A_159 = arith.muli %add3A_157, %mul3A_158 : i32
        %dma_start3A_160 = tpu.memref_slice %arg5[%mul3A_159] : memref<5120xi32, #tpu.memory_space<vmem>> -> memref<128xi32, #tpu.memory_space<vmem>>
        %dma_start3A_161 = arith.constant 0 : i32
        %dma_start3A_162 = arith.constant 0 : i32
        %dma_start3A_163 = tpu.memref_slice %arg2[%dma_start3A_161, %dma_start3A_162] : memref<10112x128xf32, #tpu.memory_space<hbm>> -> memref<10112x128xf32, #tpu.memory_space<hbm>>
        tpu.enqueue_indirect_dma source(%dma_start3A_163 : memref<10112x128xf32, #tpu.memory_space<hbm>>) target(%arg7 : memref<128x128xf32, #tpu.memory_space<vmem>>) offsets(%dma_start3A_160 : memref<128xi32, #tpu.memory_space<vmem>>) semaphore(%arg10 : memref<!tpu.dma_semaphore, #tpu.memory_space<semaphore_mem>>)
      } else {
      }
      %mul3A_124 = arith.constant 4 : i32
      %mul3A_125 = arith.muli %scan3A_27, %mul3A_124 : i32
      %add3A_126 = arith.constant 2 : i32
      %add3A_127 = arith.addi %mul3A_125, %add3A_126 : i32
      %mul3A_128 = arith.constant 128 : i32
      %mul3A_129 = arith.muli %add3A_127, %mul3A_128 : i32
      %add3A_130 = arith.addi %mul3A_2, %mul3A_129 : i32
      %dma_wait3A_131 = arith.constant 0 : i32
      %dma_wait3A_132 = tpu.memref_slice %arg4[%add3A_130, %dma_wait3A_131] : memref<163840x128xf32, #tpu.memory_space<hbm>> -> memref<128x128xf32, #tpu.memory_space<hbm>>
      %dma_wait3A_133 = arith.constant 0 : i32
      %dma_wait3A_134 = tpu.memref_slice %arg4[%add3A_130, %dma_wait3A_133] : memref<163840x128xf32, #tpu.memory_space<hbm>> -> memref<128x128xf32, #tpu.memory_space<hbm>>
      tpu.wait_dma2 semaphore(%arg11 : memref<!tpu.dma_semaphore, #tpu.memory_space<semaphore_mem>>) src(%arg8 : memref<128x128xf32, #tpu.memory_space<vmem>>) dst(%dma_wait3A_134 : memref<128x128xf32, #tpu.memory_space<hbm>>)
      %lt3A_135 = arith.constant 9 : i32
      %lt3A_136 = arith.cmpi slt, %scan3A_27, %lt3A_135 : i32
      %convert_element_type3A_137 = arith.extui %lt3A_136 : i1 to i32
      %cond3A_138 = arith.constant 0 : i32
      %cond3A_139 = arith.cmpi ne, %convert_element_type3A_137, %cond3A_138 : i32
      scf.if %cond3A_139 {
        %add3A_156 = arith.constant 4 : i32
        %add3A_157 = arith.addi %add3A_127, %add3A_156 : i32
        %mul3A_158 = arith.constant 128 : i32
        %mul3A_159 = arith.muli %add3A_157, %mul3A_158 : i32
        %dma_start3A_160 = tpu.memref_slice %arg5[%mul3A_159] : memref<5120xi32, #tpu.memory_space<vmem>> -> memref<128xi32, #tpu.memory_space<vmem>>
        %dma_start3A_161 = arith.constant 0 : i32
        %dma_start3A_162 = arith.constant 0 : i32
        %dma_start3A_163 = tpu.memref_slice %arg2[%dma_start3A_161, %dma_start3A_162] : memref<10112x128xf32, #tpu.memory_space<hbm>> -> memref<10112x128xf32, #tpu.memory_space<hbm>>
        tpu.enqueue_indirect_dma source(%dma_start3A_163 : memref<10112x128xf32, #tpu.memory_space<hbm>>) target(%arg8 : memref<128x128xf32, #tpu.memory_space<vmem>>) offsets(%dma_start3A_160 : memref<128xi32, #tpu.memory_space<vmem>>) semaphore(%arg10 : memref<!tpu.dma_semaphore, #tpu.memory_space<semaphore_mem>>)
      } else {
      }
      %mul3A_140 = arith.constant 4 : i32
      %mul3A_141 = arith.muli %scan3A_27, %mul3A_140 : i32
      %add3A_142 = arith.constant 3 : i32
      %add3A_143 = arith.addi %mul3A_141, %add3A_142 : i32
      %mul3A_144 = arith.constant 128 : i32
      %mul3A_145 = arith.muli %add3A_143, %mul3A_144 : i32
      %add3A_146 = arith.addi %mul3A_2, %mul3A_145 : i32
      %dma_wait3A_147 = arith.constant 0 : i32
      %dma_wait3A_148 = tpu.memref_slice %arg4[%add3A_146, %dma_wait3A_147] : memref<163840x128xf32, #tpu.memory_space<hbm>> -> memref<128x128xf32, #tpu.memory_space<hbm>>
      %dma_wait3A_149 = arith.constant 0 : i32
      %dma_wait3A_150 = tpu.memref_slice %arg4[%add3A_146, %dma_wait3A_149] : memref<163840x128xf32, #tpu.memory_space<hbm>> -> memref<128x128xf32, #tpu.memory_space<hbm>>
      tpu.wait_dma2 semaphore(%arg11 : memref<!tpu.dma_semaphore, #tpu.memory_space<semaphore_mem>>) src(%arg9 : memref<128x128xf32, #tpu.memory_space<vmem>>) dst(%dma_wait3A_150 : memref<128x128xf32, #tpu.memory_space<hbm>>)
      %lt3A_151 = arith.constant 9 : i32
      %lt3A_152 = arith.cmpi slt, %scan3A_27, %lt3A_151 : i32
      %convert_element_type3A_153 = arith.extui %lt3A_152 : i1 to i32
      %cond3A_154 = arith.constant 0 : i32
      %cond3A_155 = arith.cmpi ne, %convert_element_type3A_153, %cond3A_154 : i32
      scf.if %cond3A_155 {
        %add3A_156 = arith.constant 4 : i32
        %add3A_157 = arith.addi %add3A_143, %add3A_156 : i32
        %mul3A_158 = arith.constant 128 : i32
        %mul3A_159 = arith.muli %add3A_157, %mul3A_158 : i32
        %dma_start3A_160 = tpu.memref_slice %arg5[%mul3A_159] : memref<5120xi32, #tpu.memory_space<vmem>> -> memref<128xi32, #tpu.memory_space<vmem>>
        %dma_start3A_161 = arith.constant 0 : i32
        %dma_start3A_162 = arith.constant 0 : i32
        %dma_start3A_163 = tpu.memref_slice %arg2[%dma_start3A_161, %dma_start3A_162] : memref<10112x128xf32, #tpu.memory_space<hbm>> -> memref<10112x128xf32, #tpu.memory_space<hbm>>
        tpu.enqueue_indirect_dma source(%dma_start3A_163 : memref<10112x128xf32, #tpu.memory_space<hbm>>) target(%arg9 : memref<128x128xf32, #tpu.memory_space<vmem>>) offsets(%dma_start3A_160 : memref<128xi32, #tpu.memory_space<vmem>>) semaphore(%arg10 : memref<!tpu.dma_semaphore, #tpu.memory_space<semaphore_mem>>)
      } else {
      }
    }
    %scan3A_26 = arith.constant 10 : i32
    return
  }
}

#map = affine_map<(d0, d1) -> (0, 0)>
#map1 = affine_map<(d0, d1) -> (0)>
module attributes {stable_mosaic.version = 14 : i64} {
  func.func @gather(%arg0: i32, %arg1: i32, %arg2: memref<10112x128xf32, #tpu.memory_space<hbm>>, %arg3: memref<163840xi32, #tpu.memory_space<hbm>>, %arg4: memref<163840x128xf32, #tpu.memory_space<hbm>>, %arg5: memref<5120xi32, #tpu.memory_space<vmem>>, %arg6: memref<128x128xf32, #tpu.memory_space<vmem>>, %arg7: memref<128x128xf32, #tpu.memory_space<vmem>>, %arg8: memref<128x128xf32, #tpu.memory_space<vmem>>, %arg9: memref<128x128xf32, #tpu.memory_space<vmem>>, %arg10: memref<!tpu.dma_semaphore, #tpu.memory_space<semaphore_mem>>, %arg11: memref<!tpu.dma_semaphore, #tpu.memory_space<semaphore_mem>>) attributes {dimension_semantics = [#tpu.dimension_semantics<core_parallel>, #tpu.dimension_semantics<subcore_parallel>], iteration_bounds = array<i64: 2, 16>, scalar_prefetch = 0 : i64, scratch_operands = 7 : i64, tpu.core_type = #tpu.core_type<sc_vector_subcore>, window_params = [{transform_indices = #map}, {transform_indices = #map1}, {transform_indices = #map}]} {
    %mul3A = arith.constant 2 : i32
    %mul3A_0 = arith.muli %arg1, %mul3A : i32
    %add3A = arith.addi %mul3A_0, %arg0 : i32
    %mul3A_1 = arith.constant 5120 : i32
    %mul3A_2 = arith.muli %add3A, %mul3A_1 : i32
    "tpu.region"() ({
      %run_scoped3A = tpu.sem_alloc : memref<!tpu.dma_semaphore, #tpu.memory_space<semaphore_mem>>
      %dma_start3A_27 = tpu.memref_slice %arg3[%mul3A_2] : memref<163840xi32, #tpu.memory_space<hbm>> -> memref<5120xi32, #tpu.memory_space<hbm>>
      %dma_start3A_28 = tpu.memref_slice %arg3[%mul3A_2] : memref<163840xi32, #tpu.memory_space<hbm>> -> memref<5120xi32, #tpu.memory_space<hbm>>
      tpu.enqueue_dma source(%dma_start3A_28 : memref<5120xi32, #tpu.memory_space<hbm>>) target(%arg5 : memref<5120xi32, #tpu.memory_space<vmem>>) target_semaphore(%run_scoped3A : memref<!tpu.dma_semaphore, #tpu.memory_space<semaphore_mem>>)
      %dma_wait3A = tpu.memref_slice %arg3[%mul3A_2] : memref<163840xi32, #tpu.memory_space<hbm>> -> memref<5120xi32, #tpu.memory_space<hbm>>
      %dma_wait3A_29 = tpu.memref_slice %arg3[%mul3A_2] : memref<163840xi32, #tpu.memory_space<hbm>> -> memref<5120xi32, #tpu.memory_space<hbm>>
      tpu.wait_dma2 semaphore(%run_scoped3A : memref<!tpu.dma_semaphore, #tpu.memory_space<semaphore_mem>>) src(%dma_wait3A_29 : memref<5120xi32, #tpu.memory_space<hbm>>) dst(%arg5 : memref<5120xi32, #tpu.memory_space<vmem>>)
      tpu.yield
    }) : () -> ()
    %dma_start3A = arith.constant 0 : i32
    %dma_start3A_3 = tpu.memref_slice %arg5[%dma_start3A] : memref<5120xi32, #tpu.memory_space<vmem>> -> memref<128xi32, #tpu.memory_space<vmem>>
    %dma_start3A_4 = arith.constant 0 : i32
    %dma_start3A_5 = arith.constant 0 : i32
    %dma_start3A_6 = tpu.memref_slice %arg2[%dma_start3A_4, %dma_start3A_5] : memref<10112x128xf32, #tpu.memory_space<hbm>> -> memref<10112x128xf32, #tpu.memory_space<hbm>>
    tpu.enqueue_indirect_dma source(%dma_start3A_6 : memref<10112x128xf32, #tpu.memory_space<hbm>>) target(%arg6 : memref<128x128xf32, #tpu.memory_space<vmem>>) offsets(%dma_start3A_3 : memref<128xi32, #tpu.memory_space<vmem>>) semaphore(%arg10 : memref<!tpu.dma_semaphore, #tpu.memory_space<semaphore_mem>>)
    %dma_start3A_7 = arith.constant 128 : i32
    %dma_start3A_8 = tpu.memref_slice %arg5[%dma_start3A_7] : memref<5120xi32, #tpu.memory_space<vmem>> -> memref<128xi32, #tpu.memory_space<vmem>>
    %dma_start3A_9 = arith.constant 0 : i32
    %dma_start3A_10 = arith.constant 0 : i32
    %dma_start3A_11 = tpu.memref_slice %arg2[%dma_start3A_9, %dma_start3A_10] : memref<10112x128xf32, #tpu.memory_space<hbm>> -> memref<10112x128xf32, #tpu.memory_space<hbm>>
    tpu.enqueue_indirect_dma source(%dma_start3A_11 : memref<10112x128xf32, #tpu.memory_space<hbm>>) target(%arg7 : memref<128x128xf32, #tpu.memory_space<vmem>>) offsets(%dma_start3A_8 : memref<128xi32, #tpu.memory_space<vmem>>) semaphore(%arg10 : memref<!tpu.dma_semaphore, #tpu.memory_space<semaphore_mem>>)
    %dma_start3A_12 = arith.constant 256 : i32
    %dma_start3A_13 = tpu.memref_slice %arg5[%dma_start3A_12] : memref<5120xi32, #tpu.memory_space<vmem>> -> memref<128xi32, #tpu.memory_space<vmem>>
    %dma_start3A_14 = arith.constant 0 : i32
    %dma_start3A_15 = arith.constant 0 : i32
    %dma_start3A_16 = tpu.memref_slice %arg2[%dma_start3A_14, %dma_start3A_15] : memref<10112x128xf32, #tpu.memory_space<hbm>> -> memref<10112x128xf32, #tpu.memory_space<hbm>>
    tpu.enqueue_indirect_dma source(%dma_start3A_16 : memref<10112x128xf32, #tpu.memory_space<hbm>>) target(%arg8 : memref<128x128xf32, #tpu.memory_space<vmem>>) offsets(%dma_start3A_13 : memref<128xi32, #tpu.memory_space<vmem>>) semaphore(%arg10 : memref<!tpu.dma_semaphore, #tpu.memory_space<semaphore_mem>>)
    %dma_start3A_17 = arith.constant 384 : i32
    %dma_start3A_18 = tpu.memref_slice %arg5[%dma_start3A_17] : memref<5120xi32, #tpu.memory_space<vmem>> -> memref<128xi32, #tpu.memory_space<vmem>>
    %dma_start3A_19 = arith.constant 0 : i32
    %dma_start3A_20 = arith.constant 0 : i32
    %dma_start3A_21 = tpu.memref_slice %arg2[%dma_start3A_19, %dma_start3A_20] : memref<10112x128xf32, #tpu.memory_space<hbm>> -> memref<10112x128xf32, #tpu.memory_space<hbm>>
    tpu.enqueue_indirect_dma source(%dma_start3A_21 : memref<10112x128xf32, #tpu.memory_space<hbm>>) target(%arg9 : memref<128x128xf32, #tpu.memory_space<vmem>>) offsets(%dma_start3A_18 : memref<128xi32, #tpu.memory_space<vmem>>) semaphore(%arg10 : memref<!tpu.dma_semaphore, #tpu.memory_space<semaphore_mem>>)
    %scan3A = arith.constant 0 : i32
    %scan3A_22 = arith.constant 0 : i32
    %scan3A_23 = arith.constant 10 : i32
    %scan3A_24 = arith.addi %scan3A_22, %scan3A_23 : i32
    %scan3A_25 = arith.constant 1 : i32
    scf.for %scan3A_27 = %scan3A_22 to %scan3A_24 step %scan3A_25  : i32 {
      %mul3A_28 = arith.constant 4 : i32
      %mul3A_29 = arith.muli %scan3A_27, %mul3A_28 : i32
      %add3A_30 = arith.constant 0 : i32
      %add3A_31 = arith.addi %mul3A_29, %add3A_30 : i32
      %mul3A_32 = arith.constant 128 : i32
      %mul3A_33 = arith.muli %add3A_31, %mul3A_32 : i32
      %dma_wait3A = tpu.memref_slice %arg5[%mul3A_33] : memref<5120xi32, #tpu.memory_space<vmem>> -> memref<128xi32, #tpu.memory_space<vmem>>
      %dma_wait3A_34 = arith.constant 0 : i32
      %dma_wait3A_35 = arith.constant 0 : i32
      %dma_wait3A_36 = tpu.memref_slice %arg2[%dma_wait3A_34, %dma_wait3A_35] : memref<10112x128xf32, #tpu.memory_space<hbm>> -> memref<10112x128xf32, #tpu.memory_space<hbm>>
      tpu.wait_indirect_dma semaphore(%arg10 : memref<!tpu.dma_semaphore, #tpu.memory_space<semaphore_mem>>) src(%dma_wait3A_36 : memref<10112x128xf32, #tpu.memory_space<hbm>>) dst(%arg6 : memref<128x128xf32, #tpu.memory_space<vmem>>)
      %mul3A_37 = arith.constant 128 : i32
      %mul3A_38 = arith.muli %add3A_31, %mul3A_37 : i32
      %add3A_39 = arith.addi %mul3A_2, %mul3A_38 : i32
      %dma_start3A_40 = arith.constant 0 : i32
      %dma_start3A_41 = tpu.memref_slice %arg4[%add3A_39, %dma_start3A_40] : memref<163840x128xf32, #tpu.memory_space<hbm>> -> memref<128x128xf32, #tpu.memory_space<hbm>>
      %dma_start3A_42 = arith.constant 0 : i32
      %dma_start3A_43 = tpu.memref_slice %arg4[%add3A_39, %dma_start3A_42] : memref<163840x128xf32, #tpu.memory_space<hbm>> -> memref<128x128xf32, #tpu.memory_space<hbm>>
      tpu.enqueue_dma source(%arg6 : memref<128x128xf32, #tpu.memory_space<vmem>>) target(%dma_start3A_43 : memref<128x128xf32, #tpu.memory_space<hbm>>) target_semaphore(%arg11 : memref<!tpu.dma_semaphore, #tpu.memory_space<semaphore_mem>>)
      %mul3A_44 = arith.constant 4 : i32
      %mul3A_45 = arith.muli %scan3A_27, %mul3A_44 : i32
      %add3A_46 = arith.constant 1 : i32
      %add3A_47 = arith.addi %mul3A_45, %add3A_46 : i32
      %mul3A_48 = arith.constant 128 : i32
      %mul3A_49 = arith.muli %add3A_47, %mul3A_48 : i32
      %dma_wait3A_50 = tpu.memref_slice %arg5[%mul3A_49] : memref<5120xi32, #tpu.memory_space<vmem>> -> memref<128xi32, #tpu.memory_space<vmem>>
      %dma_wait3A_51 = arith.constant 0 : i32
      %dma_wait3A_52 = arith.constant 0 : i32
      %dma_wait3A_53 = tpu.memref_slice %arg2[%dma_wait3A_51, %dma_wait3A_52] : memref<10112x128xf32, #tpu.memory_space<hbm>> -> memref<10112x128xf32, #tpu.memory_space<hbm>>
      tpu.wait_indirect_dma semaphore(%arg10 : memref<!tpu.dma_semaphore, #tpu.memory_space<semaphore_mem>>) src(%dma_wait3A_53 : memref<10112x128xf32, #tpu.memory_space<hbm>>) dst(%arg7 : memref<128x128xf32, #tpu.memory_space<vmem>>)
      %mul3A_54 = arith.constant 128 : i32
      %mul3A_55 = arith.muli %add3A_47, %mul3A_54 : i32
      %add3A_56 = arith.addi %mul3A_2, %mul3A_55 : i32
      %dma_start3A_57 = arith.constant 0 : i32
      %dma_start3A_58 = tpu.memref_slice %arg4[%add3A_56, %dma_start3A_57] : memref<163840x128xf32, #tpu.memory_space<hbm>> -> memref<128x128xf32, #tpu.memory_space<hbm>>
      %dma_start3A_59 = arith.constant 0 : i32
      %dma_start3A_60 = tpu.memref_slice %arg4[%add3A_56, %dma_start3A_59] : memref<163840x128xf32, #tpu.memory_space<hbm>> -> memref<128x128xf32, #tpu.memory_space<hbm>>
      tpu.enqueue_dma source(%arg7 : memref<128x128xf32, #tpu.memory_space<vmem>>) target(%dma_start3A_60 : memref<128x128xf32, #tpu.memory_space<hbm>>) target_semaphore(%arg11 : memref<!tpu.dma_semaphore, #tpu.memory_space<semaphore_mem>>)
      %mul3A_61 = arith.constant 4 : i32
      %mul3A_62 = arith.muli %scan3A_27, %mul3A_61 : i32
      %add3A_63 = arith.constant 2 : i32
      %add3A_64 = arith.addi %mul3A_62, %add3A_63 : i32
      %mul3A_65 = arith.constant 128 : i32
      %mul3A_66 = arith.muli %add3A_64, %mul3A_65 : i32
      %dma_wait3A_67 = tpu.memref_slice %arg5[%mul3A_66] : memref<5120xi32, #tpu.memory_space<vmem>> -> memref<128xi32, #tpu.memory_space<vmem>>
      %dma_wait3A_68 = arith.constant 0 : i32
      %dma_wait3A_69 = arith.constant 0 : i32
      %dma_wait3A_70 = tpu.memref_slice %arg2[%dma_wait3A_68, %dma_wait3A_69] : memref<10112x128xf32, #tpu.memory_space<hbm>> -> memref<10112x128xf32, #tpu.memory_space<hbm>>
      tpu.wait_indirect_dma semaphore(%arg10 : memref<!tpu.dma_semaphore, #tpu.memory_space<semaphore_mem>>) src(%dma_wait3A_70 : memref<10112x128xf32, #tpu.memory_space<hbm>>) dst(%arg8 : memref<128x128xf32, #tpu.memory_space<vmem>>)
      %mul3A_71 = arith.constant 128 : i32
      %mul3A_72 = arith.muli %add3A_64, %mul3A_71 : i32
      %add3A_73 = arith.addi %mul3A_2, %mul3A_72 : i32
      %dma_start3A_74 = arith.constant 0 : i32
      %dma_start3A_75 = tpu.memref_slice %arg4[%add3A_73, %dma_start3A_74] : memref<163840x128xf32, #tpu.memory_space<hbm>> -> memref<128x128xf32, #tpu.memory_space<hbm>>
      %dma_start3A_76 = arith.constant 0 : i32
      %dma_start3A_77 = tpu.memref_slice %arg4[%add3A_73, %dma_start3A_76] : memref<163840x128xf32, #tpu.memory_space<hbm>> -> memref<128x128xf32, #tpu.memory_space<hbm>>
      tpu.enqueue_dma source(%arg8 : memref<128x128xf32, #tpu.memory_space<vmem>>) target(%dma_start3A_77 : memref<128x128xf32, #tpu.memory_space<hbm>>) target_semaphore(%arg11 : memref<!tpu.dma_semaphore, #tpu.memory_space<semaphore_mem>>)
      %mul3A_78 = arith.constant 4 : i32
      %mul3A_79 = arith.muli %scan3A_27, %mul3A_78 : i32
      %add3A_80 = arith.constant 3 : i32
      %add3A_81 = arith.addi %mul3A_79, %add3A_80 : i32
      %mul3A_82 = arith.constant 128 : i32
      %mul3A_83 = arith.muli %add3A_81, %mul3A_82 : i32
      %dma_wait3A_84 = tpu.memref_slice %arg5[%mul3A_83] : memref<5120xi32, #tpu.memory_space<vmem>> -> memref<128xi32, #tpu.memory_space<vmem>>
      %dma_wait3A_85 = arith.constant 0 : i32
      %dma_wait3A_86 = arith.constant 0 : i32
      %dma_wait3A_87 = tpu.memref_slice %arg2[%dma_wait3A_85, %dma_wait3A_86] : memref<10112x128xf32, #tpu.memory_space<hbm>> -> memref<10112x128xf32, #tpu.memory_space<hbm>>
      tpu.wait_indirect_dma semaphore(%arg10 : memref<!tpu.dma_semaphore, #tpu.memory_space<semaphore_mem>>) src(%dma_wait3A_87 : memref<10112x128xf32, #tpu.memory_space<hbm>>) dst(%arg9 : memref<128x128xf32, #tpu.memory_space<vmem>>)
      %mul3A_88 = arith.constant 128 : i32
      %mul3A_89 = arith.muli %add3A_81, %mul3A_88 : i32
      %add3A_90 = arith.addi %mul3A_2, %mul3A_89 : i32
      %dma_start3A_91 = arith.constant 0 : i32
      %dma_start3A_92 = tpu.memref_slice %arg4[%add3A_90, %dma_start3A_91] : memref<163840x128xf32, #tpu.memory_space<hbm>> -> memref<128x128xf32, #tpu.memory_space<hbm>>
      %dma_start3A_93 = arith.constant 0 : i32
      %dma_start3A_94 = tpu.memref_slice %arg4[%add3A_90, %dma_start3A_93] : memref<163840x128xf32, #tpu.memory_space<hbm>> -> memref<128x128xf32, #tpu.memory_space<hbm>>
      tpu.enqueue_dma source(%arg9 : memref<128x128xf32, #tpu.memory_space<vmem>>) target(%dma_start3A_94 : memref<128x128xf32, #tpu.memory_space<hbm>>) target_semaphore(%arg11 : memref<!tpu.dma_semaphore, #tpu.memory_space<semaphore_mem>>)
      %mul3A_95 = arith.constant 4 : i32
      %mul3A_96 = arith.muli %scan3A_27, %mul3A_95 : i32
      %add3A_97 = arith.constant 0 : i32
      %add3A_98 = arith.addi %mul3A_96, %add3A_97 : i32
      %mul3A_99 = arith.constant 128 : i32
      %mul3A_100 = arith.muli %add3A_98, %mul3A_99 : i32
      %add3A_101 = arith.addi %mul3A_2, %mul3A_100 : i32
      %dma_wait3A_102 = arith.constant 0 : i32
      %dma_wait3A_103 = tpu.memref_slice %arg4[%add3A_101, %dma_wait3A_102] : memref<163840x128xf32, #tpu.memory_space<hbm>> -> memref<128x128xf32, #tpu.memory_space<hbm>>
      %dma_wait3A_104 = arith.constant 0 : i32
      %dma_wait3A_105 = tpu.memref_slice %arg4[%add3A_101, %dma_wait3A_104] : memref<163840x128xf32, #tpu.memory_space<hbm>> -> memref<128x128xf32, #tpu.memory_space<hbm>>
      tpu.wait_dma2 semaphore(%arg11 : memref<!tpu.dma_semaphore, #tpu.memory_space<semaphore_mem>>) src(%arg6 : memref<128x128xf32, #tpu.memory_space<vmem>>) dst(%dma_wait3A_105 : memref<128x128xf32, #tpu.memory_space<hbm>>)
      %lt3A = arith.constant 9 : i32
      %lt3A_106 = arith.cmpi slt, %scan3A_27, %lt3A : i32
      %convert_element_type3A = arith.extui %lt3A_106 : i1 to i32
      %cond3A = arith.constant 0 : i32
      %cond3A_107 = arith.cmpi ne, %convert_element_type3A, %cond3A : i32
      scf.if %cond3A_107 {
        %add3A_156 = arith.constant 4 : i32
        %add3A_157 = arith.addi %add3A_98, %add3A_156 : i32
        %mul3A_158 = arith.constant 128 : i32
        %mul3A_159 = arith.muli %add3A_157, %mul3A_158 : i32
        %dma_start3A_160 = tpu.memref_slice %arg5[%mul3A_159] : memref<5120xi32, #tpu.memory_space<vmem>> -> memref<128xi32, #tpu.memory_space<vmem>>
        %dma_start3A_161 = arith.constant 0 : i32
        %dma_start3A_162 = arith.constant 0 : i32
        %dma_start3A_163 = tpu.memref_slice %arg2[%dma_start3A_161, %dma_start3A_162] : memref<10112x128xf32, #tpu.memory_space<hbm>> -> memref<10112x128xf32, #tpu.memory_space<hbm>>
        tpu.enqueue_indirect_dma source(%dma_start3A_163 : memref<10112x128xf32, #tpu.memory_space<hbm>>) target(%arg6 : memref<128x128xf32, #tpu.memory_space<vmem>>) offsets(%dma_start3A_160 : memref<128xi32, #tpu.memory_space<vmem>>) semaphore(%arg10 : memref<!tpu.dma_semaphore, #tpu.memory_space<semaphore_mem>>)
      } else {
      }
      %mul3A_108 = arith.constant 4 : i32
      %mul3A_109 = arith.muli %scan3A_27, %mul3A_108 : i32
      %add3A_110 = arith.constant 1 : i32
      %add3A_111 = arith.addi %mul3A_109, %add3A_110 : i32
      %mul3A_112 = arith.constant 128 : i32
      %mul3A_113 = arith.muli %add3A_111, %mul3A_112 : i32
      %add3A_114 = arith.addi %mul3A_2, %mul3A_113 : i32
      %dma_wait3A_115 = arith.constant 0 : i32
      %dma_wait3A_116 = tpu.memref_slice %arg4[%add3A_114, %dma_wait3A_115] : memref<163840x128xf32, #tpu.memory_space<hbm>> -> memref<128x128xf32, #tpu.memory_space<hbm>>
      %dma_wait3A_117 = arith.constant 0 : i32
      %dma_wait3A_118 = tpu.memref_slice %arg4[%add3A_114, %dma_wait3A_117] : memref<163840x128xf32, #tpu.memory_space<hbm>> -> memref<128x128xf32, #tpu.memory_space<hbm>>
      tpu.wait_dma2 semaphore(%arg11 : memref<!tpu.dma_semaphore, #tpu.memory_space<semaphore_mem>>) src(%arg7 : memref<128x128xf32, #tpu.memory_space<vmem>>) dst(%dma_wait3A_118 : memref<128x128xf32, #tpu.memory_space<hbm>>)
      %lt3A_119 = arith.constant 9 : i32
      %lt3A_120 = arith.cmpi slt, %scan3A_27, %lt3A_119 : i32
      %convert_element_type3A_121 = arith.extui %lt3A_120 : i1 to i32
      %cond3A_122 = arith.constant 0 : i32
      %cond3A_123 = arith.cmpi ne, %convert_element_type3A_121, %cond3A_122 : i32
      scf.if %cond3A_123 {
        %add3A_156 = arith.constant 4 : i32
        %add3A_157 = arith.addi %add3A_111, %add3A_156 : i32
        %mul3A_158 = arith.constant 128 : i32
        %mul3A_159 = arith.muli %add3A_157, %mul3A_158 : i32
        %dma_start3A_160 = tpu.memref_slice %arg5[%mul3A_159] : memref<5120xi32, #tpu.memory_space<vmem>> -> memref<128xi32, #tpu.memory_space<vmem>>
        %dma_start3A_161 = arith.constant 0 : i32
        %dma_start3A_162 = arith.constant 0 : i32
        %dma_start3A_163 = tpu.memref_slice %arg2[%dma_start3A_161, %dma_start3A_162] : memref<10112x128xf32, #tpu.memory_space<hbm>> -> memref<10112x128xf32, #tpu.memory_space<hbm>>
        tpu.enqueue_indirect_dma source(%dma_start3A_163 : memref<10112x128xf32, #tpu.memory_space<hbm>>) target(%arg7 : memref<128x128xf32, #tpu.memory_space<vmem>>) offsets(%dma_start3A_160 : memref<128xi32, #tpu.memory_space<vmem>>) semaphore(%arg10 : memref<!tpu.dma_semaphore, #tpu.memory_space<semaphore_mem>>)
      } else {
      }
      %mul3A_124 = arith.constant 4 : i32
      %mul3A_125 = arith.muli %scan3A_27, %mul3A_124 : i32
      %add3A_126 = arith.constant 2 : i32
      %add3A_127 = arith.addi %mul3A_125, %add3A_126 : i32
      %mul3A_128 = arith.constant 128 : i32
      %mul3A_129 = arith.muli %add3A_127, %mul3A_128 : i32
      %add3A_130 = arith.addi %mul3A_2, %mul3A_129 : i32
      %dma_wait3A_131 = arith.constant 0 : i32
      %dma_wait3A_132 = tpu.memref_slice %arg4[%add3A_130, %dma_wait3A_131] : memref<163840x128xf32, #tpu.memory_space<hbm>> -> memref<128x128xf32, #tpu.memory_space<hbm>>
      %dma_wait3A_133 = arith.constant 0 : i32
      %dma_wait3A_134 = tpu.memref_slice %arg4[%add3A_130, %dma_wait3A_133] : memref<163840x128xf32, #tpu.memory_space<hbm>> -> memref<128x128xf32, #tpu.memory_space<hbm>>
      tpu.wait_dma2 semaphore(%arg11 : memref<!tpu.dma_semaphore, #tpu.memory_space<semaphore_mem>>) src(%arg8 : memref<128x128xf32, #tpu.memory_space<vmem>>) dst(%dma_wait3A_134 : memref<128x128xf32, #tpu.memory_space<hbm>>)
      %lt3A_135 = arith.constant 9 : i32
      %lt3A_136 = arith.cmpi slt, %scan3A_27, %lt3A_135 : i32
      %convert_element_type3A_137 = arith.extui %lt3A_136 : i1 to i32
      %cond3A_138 = arith.constant 0 : i32
      %cond3A_139 = arith.cmpi ne, %convert_element_type3A_137, %cond3A_138 : i32
      scf.if %cond3A_139 {
        %add3A_156 = arith.constant 4 : i32
        %add3A_157 = arith.addi %add3A_127, %add3A_156 : i32
        %mul3A_158 = arith.constant 128 : i32
        %mul3A_159 = arith.muli %add3A_157, %mul3A_158 : i32
        %dma_start3A_160 = tpu.memref_slice %arg5[%mul3A_159] : memref<5120xi32, #tpu.memory_space<vmem>> -> memref<128xi32, #tpu.memory_space<vmem>>
        %dma_start3A_161 = arith.constant 0 : i32
        %dma_start3A_162 = arith.constant 0 : i32
        %dma_start3A_163 = tpu.memref_slice %arg2[%dma_start3A_161, %dma_start3A_162] : memref<10112x128xf32, #tpu.memory_space<hbm>> -> memref<10112x128xf32, #tpu.memory_space<hbm>>
        tpu.enqueue_indirect_dma source(%dma_start3A_163 : memref<10112x128xf32, #tpu.memory_space<hbm>>) target(%arg8 : memref<128x128xf32, #tpu.memory_space<vmem>>) offsets(%dma_start3A_160 : memref<128xi32, #tpu.memory_space<vmem>>) semaphore(%arg10 : memref<!tpu.dma_semaphore, #tpu.memory_space<semaphore_mem>>)
      } else {
      }
      %mul3A_140 = arith.constant 4 : i32
      %mul3A_141 = arith.muli %scan3A_27, %mul3A_140 : i32
      %add3A_142 = arith.constant 3 : i32
      %add3A_143 = arith.addi %mul3A_141, %add3A_142 : i32
      %mul3A_144 = arith.constant 128 : i32
      %mul3A_145 = arith.muli %add3A_143, %mul3A_144 : i32
      %add3A_146 = arith.addi %mul3A_2, %mul3A_145 : i32
      %dma_wait3A_147 = arith.constant 0 : i32
      %dma_wait3A_148 = tpu.memref_slice %arg4[%add3A_146, %dma_wait3A_147] : memref<163840x128xf32, #tpu.memory_space<hbm>> -> memref<128x128xf32, #tpu.memory_space<hbm>>
      %dma_wait3A_149 = arith.constant 0 : i32
      %dma_wait3A_150 = tpu.memref_slice %arg4[%add3A_146, %dma_wait3A_149] : memref<163840x128xf32, #tpu.memory_space<hbm>> -> memref<128x128xf32, #tpu.memory_space<hbm>>
      tpu.wait_dma2 semaphore(%arg11 : memref<!tpu.dma_semaphore, #tpu.memory_space<semaphore_mem>>) src(%arg9 : memref<128x128xf32, #tpu.memory_space<vmem>>) dst(%dma_wait3A_150 : memref<128x128xf32, #tpu.memory_space<hbm>>)
      %lt3A_151 = arith.constant 9 : i32
      %lt3A_152 = arith.cmpi slt, %scan3A_27, %lt3A_151 : i32
      %convert_element_type3A_153 = arith.extui %lt3A_152 : i1 to i32
      %cond3A_154 = arith.constant 0 : i32
      %cond3A_155 = arith.cmpi ne, %convert_element_type3A_153, %cond3A_154 : i32
      scf.if %cond3A_155 {
        %add3A_156 = arith.constant 4 : i32
        %add3A_157 = arith.addi %add3A_143, %add3A_156 : i32
        %mul3A_158 = arith.constant 128 : i32
        %mul3A_159 = arith.muli %add3A_157, %mul3A_158 : i32
        %dma_start3A_160 = tpu.memref_slice %arg5[%mul3A_159] : memref<5120xi32, #tpu.memory_space<vmem>> -> memref<128xi32, #tpu.memory_space<vmem>>
        %dma_start3A_161 = arith.constant 0 : i32
        %dma_start3A_162 = arith.constant 0 : i32
        %dma_start3A_163 = tpu.memref_slice %arg2[%dma_start3A_161, %dma_start3A_162] : memref<10112x128xf32, #tpu.memory_space<hbm>> -> memref<10112x128xf32, #tpu.memory_space<hbm>>
        tpu.enqueue_indirect_dma source(%dma_start3A_163 : memref<10112x128xf32, #tpu.memory_space<hbm>>) target(%arg9 : memref<128x128xf32, #tpu.memory_space<vmem>>) offsets(%dma_start3A_160 : memref<128xi32, #tpu.memory_space<vmem>>) semaphore(%arg10 : memref<!tpu.dma_semaphore, #tpu.memory_space<semaphore_mem>>)
      } else {
      }
    }
    %scan3A_26 = arith.constant 10 : i32
    return
  }
}

module attributes {stable_mosaic.version = 14 : i64} {
  func.func @_dist_body(%arg0: i32, %arg1: memref<128x128xf32, #tpu.memory_space<vmem>>, %arg2: memref<128x10112xf32, #tpu.memory_space<vmem>>, %arg3: memref<128x64xf32, #tpu.memory_space<vmem>>, %arg4: memref<128x128xf32, #tpu.memory_space<vmem>>, %arg5: memref<8x64xf32, #tpu.memory_space<vmem>>, %arg6: memref<128x16xi32, #tpu.memory_space<vmem>>, %arg7: memref<128x128xf32, #tpu.memory_space<vmem>>, %arg8: memref<128x64xf32, #tpu.memory_space<vmem>>) attributes {dimension_semantics = [#tpu.dimension_semantics<arbitrary>], iteration_bounds = array<i64: 79>, scalar_prefetch = 0 : i64, scratch_operands = 0 : i64, tpu.core_type = #tpu.core_type<tc>, window_params = [{transform_indices = @transform_0, window_bounds = array<i64: 128, 128>}, {pipeline_mode = #tpu.pipeline_mode<synchronous>, transform_indices = @transform_1, window_bounds = array<i64: 128, 10112>}, {pipeline_mode = #tpu.pipeline_mode<synchronous>, transform_indices = @transform_2, window_bounds = array<i64: 128, 64>}, {pipeline_mode = #tpu.pipeline_mode<synchronous>, transform_indices = @transform_3, window_bounds = array<i64: 128, 128>}, {pipeline_mode = #tpu.pipeline_mode<synchronous>, transform_indices = @transform_4, window_bounds = array<i64: 8, 64>}, {transform_indices = @transform_5, window_bounds = array<i64: 128, 16>}, {transform_indices = @transform_6, window_bounds = array<i64: 128, 128>}, {transform_indices = @transform_7, window_bounds = array<i64: 128, 64>}]} {
    %get3A = arith.constant 0 : index
    %get3A_0 = arith.constant 0 : index
    %get3A_1 = vector.load %arg1[%get3A, %get3A_0] : memref<128x128xf32, #tpu.memory_space<vmem>>, vector<128x128xf32>
    %get3A_2 = arith.constant 0 : index
    %get3A_3 = arith.constant 0 : index
    %get3A_4 = vector.load %arg2[%get3A_2, %get3A_3] : memref<128x10112xf32, #tpu.memory_space<vmem>>, vector<128x10112xf32>
    %dot_general3A = arith.constant dense<0.000000e+00> : vector<128x10112xf32>
    %dot_general3A_5 = tpu.matmul %get3A_1, %get3A_4, %dot_general3A {dimension_numbers = #tpu.dot_dimension_numbers<[1], [0], [0], [1], [0, 0, 1, 1], [], []>, transpose_lhs_hint = false} : vector<128x128xf32>, vector<128x10112xf32>, vector<128x10112xf32> -> vector<128x10112xf32>
    %mul3A = arith.constant -2.000000e+00 : f32
    %mul3A_6 = vector.broadcast %mul3A : f32 to vector<128x10112xf32>
    %mul3A_7 = arith.mulf %mul3A_6, %dot_general3A_5 : vector<128x10112xf32>
    %mul3A_8 = arith.mulf %get3A_1, %get3A_1 : vector<128x128xf32>
    %reduce_sum3A = arith.constant dense<0.000000e+00> : vector<128xf32>
    %reduce_sum3A_9 = vector.multi_reduction <add>, %mul3A_8, %reduce_sum3A [1] : vector<128x128xf32> to vector<128xf32>
    %broadcast_in_dim3A = vector.shape_cast %reduce_sum3A_9 : vector<128xf32> to vector<128x1xf32>
    %mul3A_10 = arith.mulf %get3A_4, %get3A_4 : vector<128x10112xf32>
    %reduce_sum3A_11 = arith.constant dense<0.000000e+00> : vector<10112xf32>
    %reduce_sum3A_12 = vector.multi_reduction <add>, %mul3A_10, %reduce_sum3A_11 [0] : vector<128x10112xf32> to vector<10112xf32>
    %broadcast_in_dim3A_13 = vector.shape_cast %reduce_sum3A_12 : vector<10112xf32> to vector<1x10112xf32>
    %add3A = vector.broadcast %broadcast_in_dim3A : vector<128x1xf32> to vector<128x10112xf32>
    %add3A_14 = arith.addf %mul3A_7, %add3A : vector<128x10112xf32>
    %add3A_15 = vector.broadcast %broadcast_in_dim3A_13 : vector<1x10112xf32> to vector<128x10112xf32>
    %add3A_16 = arith.addf %add3A_14, %add3A_15 : vector<128x10112xf32>
    %iota3A = tpu.iota {dimensions = array<i32: 1>} : vector<128x10112xi32>
    %lt3A = arith.constant 10000 : i32
    %lt3A_17 = vector.broadcast %lt3A : i32 to vector<128x10112xi32>
    %lt3A_18 = arith.cmpi slt, %iota3A, %lt3A_17 : vector<128x10112xi32>
    %jit3A = arith.constant 3.000000e+38 : f32
    %broadcast_in_dim3A_19 = vector.broadcast %jit3A : f32 to vector<128x10112xf32>
    %select_n3A = arith.select %lt3A_18, %add3A_16, %broadcast_in_dim3A_19 : vector<128x10112xi1>, vector<128x10112xf32>
    %argmin3A = tpu.reduce_index %select_n3A {axis = 1 : i32, kind = #tpu.reduction_kind<arg_min>} : vector<128x10112xf32> -> vector<128xi32>
    %reshape3A = vector.shape_cast %argmin3A : vector<128xi32> to vector<128x1xi32>
    %eq3A = vector.broadcast %reshape3A : vector<128x1xi32> to vector<128x10112xi32>
    %eq3A_20 = arith.cmpi eq, %iota3A, %eq3A : vector<128x10112xi32>
    %jit3A_21 = arith.constant 3.000000e+38 : f32
    %broadcast_in_dim3A_22 = vector.broadcast %jit3A_21 : f32 to vector<128x10112xf32>
    %select_n3A_23 = arith.select %eq3A_20, %broadcast_in_dim3A_22, %select_n3A : vector<128x10112xi1>, vector<128x10112xf32>
    %argmin3A_24 = tpu.reduce_index %select_n3A_23 {axis = 1 : i32, kind = #tpu.reduction_kind<arg_min>} : vector<128x10112xf32> -> vector<128xi32>
    %reshape3A_25 = vector.shape_cast %argmin3A_24 : vector<128xi32> to vector<128x1xi32>
    %eq3A_26 = vector.broadcast %reshape3A_25 : vector<128x1xi32> to vector<128x10112xi32>
    %eq3A_27 = arith.cmpi eq, %iota3A, %eq3A_26 : vector<128x10112xi32>
    %jit3A_28 = arith.constant 3.000000e+38 : f32
    %broadcast_in_dim3A_29 = vector.broadcast %jit3A_28 : f32 to vector<128x10112xf32>
    %select_n3A_30 = arith.select %eq3A_27, %broadcast_in_dim3A_29, %select_n3A_23 : vector<128x10112xi1>, vector<128x10112xf32>
    %argmin3A_31 = tpu.reduce_index %select_n3A_30 {axis = 1 : i32, kind = #tpu.reduction_kind<arg_min>} : vector<128x10112xf32> -> vector<128xi32>
    %reshape3A_32 = vector.shape_cast %argmin3A_31 : vector<128xi32> to vector<128x1xi32>
    %eq3A_33 = vector.broadcast %reshape3A_32 : vector<128x1xi32> to vector<128x10112xi32>
    %eq3A_34 = arith.cmpi eq, %iota3A, %eq3A_33 : vector<128x10112xi32>
    %jit3A_35 = arith.constant 3.000000e+38 : f32
    %broadcast_in_dim3A_36 = vector.broadcast %jit3A_35 : f32 to vector<128x10112xf32>
    %select_n3A_37 = arith.select %eq3A_34, %broadcast_in_dim3A_36, %select_n3A_30 : vector<128x10112xi1>, vector<128x10112xf32>
    %argmin3A_38 = tpu.reduce_index %select_n3A_37 {axis = 1 : i32, kind = #tpu.reduction_kind<arg_min>} : vector<128x10112xf32> -> vector<128xi32>
    %reshape3A_39 = vector.shape_cast %argmin3A_38 : vector<128xi32> to vector<128x1xi32>
    %eq3A_40 = vector.broadcast %reshape3A_39 : vector<128x1xi32> to vector<128x10112xi32>
    %eq3A_41 = arith.cmpi eq, %iota3A, %eq3A_40 : vector<128x10112xi32>
    %jit3A_42 = arith.constant 3.000000e+38 : f32
    %broadcast_in_dim3A_43 = vector.broadcast %jit3A_42 : f32 to vector<128x10112xf32>
    %select_n3A_44 = arith.select %eq3A_41, %broadcast_in_dim3A_43, %select_n3A_37 : vector<128x10112xi1>, vector<128x10112xf32>
    %argmin3A_45 = tpu.reduce_index %select_n3A_44 {axis = 1 : i32, kind = #tpu.reduction_kind<arg_min>} : vector<128x10112xf32> -> vector<128xi32>
    %reshape3A_46 = vector.shape_cast %argmin3A_45 : vector<128xi32> to vector<128x1xi32>
    %eq3A_47 = vector.broadcast %reshape3A_46 : vector<128x1xi32> to vector<128x10112xi32>
    %eq3A_48 = arith.cmpi eq, %iota3A, %eq3A_47 : vector<128x10112xi32>
    %jit3A_49 = arith.constant 3.000000e+38 : f32
    %broadcast_in_dim3A_50 = vector.broadcast %jit3A_49 : f32 to vector<128x10112xf32>
    %select_n3A_51 = arith.select %eq3A_48, %broadcast_in_dim3A_50, %select_n3A_44 : vector<128x10112xi1>, vector<128x10112xf32>
    %argmin3A_52 = tpu.reduce_index %select_n3A_51 {axis = 1 : i32, kind = #tpu.reduction_kind<arg_min>} : vector<128x10112xf32> -> vector<128xi32>
    %reshape3A_53 = vector.shape_cast %argmin3A_52 : vector<128xi32> to vector<128x1xi32>
    %eq3A_54 = vector.broadcast %reshape3A_53 : vector<128x1xi32> to vector<128x10112xi32>
    %eq3A_55 = arith.cmpi eq, %iota3A, %eq3A_54 : vector<128x10112xi32>
    %jit3A_56 = arith.constant 3.000000e+38 : f32
    %broadcast_in_dim3A_57 = vector.broadcast %jit3A_56 : f32 to vector<128x10112xf32>
    %select_n3A_58 = arith.select %eq3A_55, %broadcast_in_dim3A_57, %select_n3A_51 : vector<128x10112xi1>, vector<128x10112xf32>
    %argmin3A_59 = tpu.reduce_index %select_n3A_58 {axis = 1 : i32, kind = #tpu.reduction_kind<arg_min>} : vector<128x10112xf32> -> vector<128xi32>
    %reshape3A_60 = vector.shape_cast %argmin3A_59 : vector<128xi32> to vector<128x1xi32>
    %eq3A_61 = vector.broadcast %reshape3A_60 : vector<128x1xi32> to vector<128x10112xi32>
    %eq3A_62 = arith.cmpi eq, %iota3A, %eq3A_61 : vector<128x10112xi32>
    %jit3A_63 = arith.constant 3.000000e+38 : f32
    %broadcast_in_dim3A_64 = vector.broadcast %jit3A_63 : f32 to vector<128x10112xf32>
    %select_n3A_65 = arith.select %eq3A_62, %broadcast_in_dim3A_64, %select_n3A_58 : vector<128x10112xi1>, vector<128x10112xf32>
    %argmin3A_66 = tpu.reduce_index %select_n3A_65 {axis = 1 : i32, kind = #tpu.reduction_kind<arg_min>} : vector<128x10112xf32> -> vector<128xi32>
    %reshape3A_67 = vector.shape_cast %argmin3A_66 : vector<128xi32> to vector<128x1xi32>
    %eq3A_68 = vector.broadcast %reshape3A_67 : vector<128x1xi32> to vector<128x10112xi32>
    %eq3A_69 = arith.cmpi eq, %iota3A, %eq3A_68 : vector<128x10112xi32>
    %jit3A_70 = arith.constant 3.000000e+38 : f32
    %broadcast_in_dim3A_71 = vector.broadcast %jit3A_70 : f32 to vector<128x10112xf32>
    %select_n3A_72 = arith.select %eq3A_69, %broadcast_in_dim3A_71, %select_n3A_65 : vector<128x10112xi1>, vector<128x10112xf32>
    %argmin3A_73 = tpu.reduce_index %select_n3A_72 {axis = 1 : i32, kind = #tpu.reduction_kind<arg_min>} : vector<128x10112xf32> -> vector<128xi32>
    %reshape3A_74 = vector.shape_cast %argmin3A_73 : vector<128xi32> to vector<128x1xi32>
    %eq3A_75 = vector.broadcast %reshape3A_74 : vector<128x1xi32> to vector<128x10112xi32>
    %eq3A_76 = arith.cmpi eq, %iota3A, %eq3A_75 : vector<128x10112xi32>
    %jit3A_77 = arith.constant 3.000000e+38 : f32
    %broadcast_in_dim3A_78 = vector.broadcast %jit3A_77 : f32 to vector<128x10112xf32>
    %select_n3A_79 = arith.select %eq3A_76, %broadcast_in_dim3A_78, %select_n3A_72 : vector<128x10112xi1>, vector<128x10112xf32>
    %argmin3A_80 = tpu.reduce_index %select_n3A_79 {axis = 1 : i32, kind = #tpu.reduction_kind<arg_min>} : vector<128x10112xf32> -> vector<128xi32>
    %reshape3A_81 = vector.shape_cast %argmin3A_80 : vector<128xi32> to vector<128x1xi32>
    %eq3A_82 = vector.broadcast %reshape3A_81 : vector<128x1xi32> to vector<128x10112xi32>
    %eq3A_83 = arith.cmpi eq, %iota3A, %eq3A_82 : vector<128x10112xi32>
    %jit3A_84 = arith.constant 3.000000e+38 : f32
    %broadcast_in_dim3A_85 = vector.broadcast %jit3A_84 : f32 to vector<128x10112xf32>
    %select_n3A_86 = arith.select %eq3A_83, %broadcast_in_dim3A_85, %select_n3A_79 : vector<128x10112xi1>, vector<128x10112xf32>
    %argmin3A_87 = tpu.reduce_index %select_n3A_86 {axis = 1 : i32, kind = #tpu.reduction_kind<arg_min>} : vector<128x10112xf32> -> vector<128xi32>
    %reshape3A_88 = vector.shape_cast %argmin3A_87 : vector<128xi32> to vector<128x1xi32>
    %eq3A_89 = vector.broadcast %reshape3A_88 : vector<128x1xi32> to vector<128x10112xi32>
    %eq3A_90 = arith.cmpi eq, %iota3A, %eq3A_89 : vector<128x10112xi32>
    %jit3A_91 = arith.constant 3.000000e+38 : f32
    %broadcast_in_dim3A_92 = vector.broadcast %jit3A_91 : f32 to vector<128x10112xf32>
    %select_n3A_93 = arith.select %eq3A_90, %broadcast_in_dim3A_92, %select_n3A_86 : vector<128x10112xi1>, vector<128x10112xf32>
    %argmin3A_94 = tpu.reduce_index %select_n3A_93 {axis = 1 : i32, kind = #tpu.reduction_kind<arg_min>} : vector<128x10112xf32> -> vector<128xi32>
    %reshape3A_95 = vector.shape_cast %argmin3A_94 : vector<128xi32> to vector<128x1xi32>
    %eq3A_96 = vector.broadcast %reshape3A_95 : vector<128x1xi32> to vector<128x10112xi32>
    %eq3A_97 = arith.cmpi eq, %iota3A, %eq3A_96 : vector<128x10112xi32>
    %jit3A_98 = arith.constant 3.000000e+38 : f32
    %broadcast_in_dim3A_99 = vector.broadcast %jit3A_98 : f32 to vector<128x10112xf32>
    %select_n3A_100 = arith.select %eq3A_97, %broadcast_in_dim3A_99, %select_n3A_93 : vector<128x10112xi1>, vector<128x10112xf32>
    %argmin3A_101 = tpu.reduce_index %select_n3A_100 {axis = 1 : i32, kind = #tpu.reduction_kind<arg_min>} : vector<128x10112xf32> -> vector<128xi32>
    %reshape3A_102 = vector.shape_cast %argmin3A_101 : vector<128xi32> to vector<128x1xi32>
    %eq3A_103 = vector.broadcast %reshape3A_102 : vector<128x1xi32> to vector<128x10112xi32>
    %eq3A_104 = arith.cmpi eq, %iota3A, %eq3A_103 : vector<128x10112xi32>
    %jit3A_105 = arith.constant 3.000000e+38 : f32
    %broadcast_in_dim3A_106 = vector.broadcast %jit3A_105 : f32 to vector<128x10112xf32>
    %select_n3A_107 = arith.select %eq3A_104, %broadcast_in_dim3A_106, %select_n3A_100 : vector<128x10112xi1>, vector<128x10112xf32>
    %argmin3A_108 = tpu.reduce_index %select_n3A_107 {axis = 1 : i32, kind = #tpu.reduction_kind<arg_min>} : vector<128x10112xf32> -> vector<128xi32>
    %reshape3A_109 = vector.shape_cast %argmin3A_108 : vector<128xi32> to vector<128x1xi32>
    %eq3A_110 = vector.broadcast %reshape3A_109 : vector<128x1xi32> to vector<128x10112xi32>
    %eq3A_111 = arith.cmpi eq, %iota3A, %eq3A_110 : vector<128x10112xi32>
    %jit3A_112 = arith.constant 3.000000e+38 : f32
    %broadcast_in_dim3A_113 = vector.broadcast %jit3A_112 : f32 to vector<128x10112xf32>
    %select_n3A_114 = arith.select %eq3A_111, %broadcast_in_dim3A_113, %select_n3A_107 : vector<128x10112xi1>, vector<128x10112xf32>
    %argmin3A_115 = tpu.reduce_index %select_n3A_114 {axis = 1 : i32, kind = #tpu.reduction_kind<arg_min>} : vector<128x10112xf32> -> vector<128xi32>
    %reshape3A_116 = vector.shape_cast %argmin3A_115 : vector<128xi32> to vector<128x1xi32>
    %eq3A_117 = vector.broadcast %reshape3A_116 : vector<128x1xi32> to vector<128x10112xi32>
    %eq3A_118 = arith.cmpi eq, %iota3A, %eq3A_117 : vector<128x10112xi32>
    %jit3A_119 = arith.constant 3.000000e+38 : f32
    %broadcast_in_dim3A_120 = vector.broadcast %jit3A_119 : f32 to vector<128x10112xf32>
    %select_n3A_121 = arith.select %eq3A_118, %broadcast_in_dim3A_120, %select_n3A_114 : vector<128x10112xi1>, vector<128x10112xf32>
    %argmin3A_122 = tpu.reduce_index %select_n3A_121 {axis = 1 : i32, kind = #tpu.reduction_kind<arg_min>} : vector<128x10112xf32> -> vector<128xi32>
    %reshape3A_123 = vector.shape_cast %argmin3A_122 : vector<128xi32> to vector<128x1xi32>
    %concatenate3A = tpu.concatenate %reshape3A, %reshape3A_25, %reshape3A_32, %reshape3A_39, %reshape3A_46, %reshape3A_53, %reshape3A_60, %reshape3A_67, %reshape3A_74, %reshape3A_81, %reshape3A_88, %reshape3A_95, %reshape3A_102, %reshape3A_109, %reshape3A_116, %reshape3A_123 in 1 : vector<128x1xi32>, vector<128x1xi32>, vector<128x1xi32>, vector<128x1xi32>, vector<128x1xi32>, vector<128x1xi32>, vector<128x1xi32>, vector<128x1xi32>, vector<128x1xi32>, vector<128x1xi32>, vector<128x1xi32>, vector<128x1xi32>, vector<128x1xi32>, vector<128x1xi32>, vector<128x1xi32>, vector<128x1xi32> -> vector<128x16xi32>
    %swap3A = arith.constant 0 : index
    %swap3A_124 = arith.constant 0 : index
    %swap3A_125 = vector.load %arg6[%swap3A, %swap3A_124] : memref<128x16xi32, #tpu.memory_space<vmem>>, vector<128x16xi32>
    tpu.vector_store %arg6[%swap3A, %swap3A_124], %concatenate3A {strides = array<i32>} : memref<128x16xi32, #tpu.memory_space<vmem>>, vector<128x16xi32>,
    %get3A_126 = arith.constant 0 : index
    %get3A_127 = arith.constant 0 : index
    %get3A_128 = vector.load %arg4[%get3A_126, %get3A_127] : memref<128x128xf32, #tpu.memory_space<vmem>>, vector<128x128xf32>
    %dot_general3A_129 = arith.constant dense<0.000000e+00> : vector<128x128xf32>
    %dot_general3A_130 = tpu.matmul %get3A_1, %get3A_128, %dot_general3A_129 {dimension_numbers = #tpu.dot_dimension_numbers<[1], [0], [0], [1], [0, 0, 1, 1], [], []>, transpose_lhs_hint = false} : vector<128x128xf32>, vector<128x128xf32>, vector<128x128xf32> -> vector<128x128xf32>
    %swap3A_131 = arith.constant 0 : index
    %swap3A_132 = arith.constant 0 : index
    %swap3A_133 = vector.load %arg7[%swap3A_131, %swap3A_132] : memref<128x128xf32, #tpu.memory_space<vmem>>, vector<128x128xf32>
    tpu.vector_store %arg7[%swap3A_131, %swap3A_132], %dot_general3A_130 {strides = array<i32>} : memref<128x128xf32, #tpu.memory_space<vmem>>, vector<128x128xf32>,
    %get3A_134 = arith.constant 0 : index
    %get3A_135 = arith.constant 0 : index
    %get3A_136 = vector.load %arg3[%get3A_134, %get3A_135] : memref<128x64xf32, #tpu.memory_space<vmem>>, vector<128x64xf32>
    %dot_general3A_137 = arith.constant dense<0.000000e+00> : vector<128x64xf32>
    %dot_general3A_138 = tpu.matmul %get3A_1, %get3A_136, %dot_general3A_137 {dimension_numbers = #tpu.dot_dimension_numbers<[1], [0], [0], [1], [0, 0, 1, 1], [], []>, transpose_lhs_hint = false} : vector<128x128xf32>, vector<128x64xf32>, vector<128x64xf32> -> vector<128x64xf32>
    %get3A_139 = arith.constant 0 : index
    %get3A_140 = arith.constant 0 : index
    %get3A_141 = vector.load %arg5[%get3A_139, %get3A_140] : memref<8x64xf32, #tpu.memory_space<vmem>>, vector<1x64xf32>
    %add3A_142 = vector.broadcast %get3A_141 : vector<1x64xf32> to vector<128x64xf32>
    %add3A_143 = arith.addf %dot_general3A_138, %add3A_142 : vector<128x64xf32>
    %slice3A = vector.extract_strided_slice %dot_general3A_130 {offsets = [0, 0], sizes = [128, 64], strides = [1, 1]} : vector<128x128xf32> to vector<128x64xf32>
    %sub3A = arith.subf %add3A_143, %slice3A : vector<128x64xf32>
    %swap3A_144 = arith.constant 0 : index
    %swap3A_145 = arith.constant 0 : index
    %swap3A_146 = vector.load %arg8[%swap3A_144, %swap3A_145] : memref<128x64xf32, #tpu.memory_space<vmem>>, vector<128x64xf32>
    tpu.vector_store %arg8[%swap3A_144, %swap3A_145], %sub3A {strides = array<i32>} : memref<128x64xf32, #tpu.memory_space<vmem>>, vector<128x64xf32>,
    return
  }
  func.func @transform_0(%arg0: i32) -> (i32, i32) {
    %c0_i32 = arith.constant 0 : i32
    %c0_i32_0 = arith.constant 0 : i32
    return %arg0, %c0_i32 : i32, i32
  }
  func.func @transform_1(%arg0: i32) -> (i32, i32) {
    %c0_i32 = arith.constant 0 : i32
    %c0_i32_0 = arith.constant 0 : i32
    %c0_i32_1 = arith.constant 0 : i32
    return %c0_i32, %c0_i32_0 : i32, i32
  }
  func.func @transform_2(%arg0: i32) -> (i32, i32) {
    %c0_i32 = arith.constant 0 : i32
    %c0_i32_0 = arith.constant 0 : i32
    %c0_i32_1 = arith.constant 0 : i32
    return %c0_i32, %c0_i32_0 : i32, i32
  }
  func.func @transform_3(%arg0: i32) -> (i32, i32) {
    %c0_i32 = arith.constant 0 : i32
    %c0_i32_0 = arith.constant 0 : i32
    %c0_i32_1 = arith.constant 0 : i32
    return %c0_i32, %c0_i32_0 : i32, i32
  }
  func.func @transform_4(%arg0: i32) -> (i32, i32) {
    %c0_i32 = arith.constant 0 : i32
    %c0_i32_0 = arith.constant 0 : i32
    %c0_i32_1 = arith.constant 0 : i32
    return %c0_i32, %c0_i32_0 : i32, i32
  }
  func.func @transform_5(%arg0: i32) -> (i32, i32) {
    %c0_i32 = arith.constant 0 : i32
    %c0_i32_0 = arith.constant 0 : i32
    return %arg0, %c0_i32 : i32, i32
  }
  func.func @transform_6(%arg0: i32) -> (i32, i32) {
    %c0_i32 = arith.constant 0 : i32
    %c0_i32_0 = arith.constant 0 : i32
    return %arg0, %c0_i32 : i32, i32
  }
  func.func @transform_7(%arg0: i32) -> (i32, i32) {
    %c0_i32 = arith.constant 0 : i32
    %c0_i32_0 = arith.constant 0 : i32
    return %arg0, %c0_i32 : i32, i32
  }
}

module attributes {stable_mosaic.version = 14 : i64} {
  func.func @_stats_body(%arg0: i32, %arg1: i32, %arg2: memref<2000x128xf32, #tpu.memory_space<vmem>>, %arg3: memref<2000x64xf32, #tpu.memory_space<vmem>>, %arg4: memref<8x64xf32, #tpu.memory_space<vmem>>) attributes {dimension_semantics = [#tpu.dimension_semantics<arbitrary>, #tpu.dimension_semantics<arbitrary>], iteration_bounds = array<i64: 16, 5>, scalar_prefetch = 0 : i64, scratch_operands = 0 : i64, tpu.core_type = #tpu.core_type<tc>, window_params = [{transform_indices = @transform_0, window_bounds = array<i64: 2000, 128>}, {transform_indices = @transform_1, window_bounds = array<i64: 2000, 64>}, {pipeline_mode = #tpu.pipeline_mode<synchronous>, transform_indices = @transform_2, window_bounds = array<i64: 8, 64>}]} {
    %eq3A = arith.constant 0 : i32
    %eq3A_0 = arith.cmpi eq, %arg0, %eq3A : i32
    %eq3A_1 = arith.constant 0 : i32
    %eq3A_2 = arith.cmpi eq, %arg1, %eq3A_1 : i32
    %and3A = arith.andi %eq3A_0, %eq3A_2 : i1
    %convert_element_type3A = arith.extui %and3A : i1 to i32
    %cond3A = arith.constant 0 : i32
    %cond3A_3 = arith.cmpi ne, %convert_element_type3A, %cond3A : i32
    scf.if %cond3A_3 {
      %broadcast_in_dim3A_26 = arith.constant 0.000000e+00 : f32
      %broadcast_in_dim3A_27 = vector.broadcast %broadcast_in_dim3A_26 : f32 to vector<8x64xf32>
      %swap3A_28 = arith.constant 0 : index
      %swap3A_29 = arith.constant 0 : index
      %swap3A_30 = vector.load %arg4[%swap3A_28, %swap3A_29] : memref<8x64xf32, #tpu.memory_space<vmem>>, vector<8x64xf32>
      tpu.vector_store %arg4[%swap3A_28, %swap3A_29], %broadcast_in_dim3A_27 {strides = array<i32>} : memref<8x64xf32, #tpu.memory_space<vmem>>, vector<8x64xf32>,
    } else {
    }
    %get3A = arith.constant 0 : index
    %get3A_4 = arith.constant 0 : index
    %get3A_5 = vector.load %arg2[%get3A, %get3A_4] : memref<2000x128xf32, #tpu.memory_space<vmem>>, vector<2000x64xf32>
    %get3A_6 = arith.constant 0 : index
    %get3A_7 = arith.constant 0 : index
    %get3A_8 = vector.load %arg3[%get3A_6, %get3A_7] : memref<2000x64xf32, #tpu.memory_space<vmem>>, vector<2000x64xf32>
    %add3A = arith.addf %get3A_5, %get3A_8 : vector<2000x64xf32>
    %reduce_sum3A = arith.constant dense<0.000000e+00> : vector<64xf32>
    %reduce_sum3A_9 = vector.multi_reduction <add>, %add3A, %reduce_sum3A [0] : vector<2000x64xf32> to vector<64xf32>
    %broadcast_in_dim3A = vector.shape_cast %reduce_sum3A_9 : vector<64xf32> to vector<1x64xf32>
    %mul3A = arith.mulf %add3A, %add3A : vector<2000x64xf32>
    %reduce_sum3A_10 = arith.constant dense<0.000000e+00> : vector<64xf32>
    %reduce_sum3A_11 = vector.multi_reduction <add>, %mul3A, %reduce_sum3A_10 [0] : vector<2000x64xf32> to vector<64xf32>
    %broadcast_in_dim3A_12 = vector.shape_cast %reduce_sum3A_11 : vector<64xf32> to vector<1x64xf32>
    %get3A_13 = arith.constant 0 : index
    %get3A_14 = arith.constant 0 : index
    %get3A_15 = vector.load %arg4[%get3A_13, %get3A_14] : memref<8x64xf32, #tpu.memory_space<vmem>>, vector<1x64xf32>
    %add3A_16 = arith.addf %get3A_15, %broadcast_in_dim3A : vector<1x64xf32>
    %swap3A = arith.constant 0 : index
    %swap3A_17 = arith.constant 0 : index
    %swap3A_18 = vector.load %arg4[%swap3A, %swap3A_17] : memref<8x64xf32, #tpu.memory_space<vmem>>, vector<1x64xf32>
    tpu.vector_store %arg4[%swap3A, %swap3A_17], %add3A_16 {strides = array<i32>} : memref<8x64xf32, #tpu.memory_space<vmem>>, vector<1x64xf32>,
    %get3A_19 = arith.constant 1 : index
    %get3A_20 = arith.constant 0 : index
    %get3A_21 = vector.load %arg4[%get3A_19, %get3A_20] : memref<8x64xf32, #tpu.memory_space<vmem>>, vector<1x64xf32>
    %add3A_22 = arith.addf %get3A_21, %broadcast_in_dim3A_12 : vector<1x64xf32>
    %swap3A_23 = arith.constant 1 : index
    %swap3A_24 = arith.constant 0 : index
    %swap3A_25 = vector.load %arg4[%swap3A_23, %swap3A_24] : memref<8x64xf32, #tpu.memory_space<vmem>>, vector<1x64xf32>
    tpu.vector_store %arg4[%swap3A_23, %swap3A_24], %add3A_22 {strides = array<i32>} : memref<8x64xf32, #tpu.memory_space<vmem>>, vector<1x64xf32>,
    return
  }
  func.func @transform_0(%arg0: i32, %arg1: i32) -> (i32, i32) {
    %mul3A = arith.constant 5 : i32
    %mul3A_0 = arith.muli %arg0, %mul3A : i32
    %add3A = arith.addi %mul3A_0, %arg1 : i32
    %c0_i32 = arith.constant 0 : i32
    %c0_i32_1 = arith.constant 0 : i32
    return %add3A, %c0_i32 : i32, i32
  }
  func.func @transform_1(%arg0: i32, %arg1: i32) -> (i32, i32) {
    %c0_i32 = arith.constant 0 : i32
    %c0_i32_0 = arith.constant 0 : i32
    return %arg1, %c0_i32 : i32, i32
  }
  func.func @transform_2(%arg0: i32, %arg1: i32) -> (i32, i32) {
    %c0_i32 = arith.constant 0 : i32
    %c0_i32_0 = arith.constant 0 : i32
    %c0_i32_1 = arith.constant 0 : i32
    return %c0_i32, %c0_i32_0 : i32, i32
  }
}

module attributes {stable_mosaic.version = 14 : i64} {
  func.func @_out_body(%arg0: i32, %arg1: i32, %arg2: memref<2000x128xf32, #tpu.memory_space<vmem>>, %arg3: memref<2000x64xf32, #tpu.memory_space<vmem>>, %arg4: memref<8x64xf32, #tpu.memory_space<vmem>>, %arg5: memref<8x64xf32, #tpu.memory_space<vmem>>, %arg6: memref<64x64xf32, #tpu.memory_space<vmem>>, %arg7: memref<2000x64xf32, #tpu.memory_space<vmem>>) attributes {dimension_semantics = [#tpu.dimension_semantics<arbitrary>, #tpu.dimension_semantics<arbitrary>], iteration_bounds = array<i64: 5, 16>, scalar_prefetch = 0 : i64, scratch_operands = 0 : i64, tpu.core_type = #tpu.core_type<tc>, window_params = [{transform_indices = @transform_0, window_bounds = array<i64: 2000, 128>}, {transform_indices = @transform_1, window_bounds = array<i64: 2000, 64>}, {pipeline_mode = #tpu.pipeline_mode<synchronous>, transform_indices = @transform_2, window_bounds = array<i64: 8, 64>}, {pipeline_mode = #tpu.pipeline_mode<synchronous>, transform_indices = @transform_3, window_bounds = array<i64: 8, 64>}, {pipeline_mode = #tpu.pipeline_mode<synchronous>, transform_indices = @transform_4, window_bounds = array<i64: 64, 64>}, {transform_indices = @transform_5, window_bounds = array<i64: 2000, 64>}]} {
    %get3A = arith.constant 0 : index
    %get3A_0 = arith.constant 0 : index
    %get3A_1 = vector.load %arg2[%get3A, %get3A_0] : memref<2000x128xf32, #tpu.memory_space<vmem>>, vector<2000x64xf32>
    %get3A_2 = arith.constant 0 : index
    %get3A_3 = arith.constant 0 : index
    %get3A_4 = vector.load %arg3[%get3A_2, %get3A_3] : memref<2000x64xf32, #tpu.memory_space<vmem>>, vector<2000x64xf32>
    %add3A = arith.addf %get3A_1, %get3A_4 : vector<2000x64xf32>
    %get3A_5 = arith.constant 0 : index
    %get3A_6 = arith.constant 0 : index
    %get3A_7 = vector.load %arg4[%get3A_5, %get3A_6] : memref<8x64xf32, #tpu.memory_space<vmem>>, vector<1x64xf32>
    %div3A = arith.constant 1.600000e+05 : f32
    %div3A_8 = vector.broadcast %div3A : f32 to vector<1x64xf32>
    %div3A_9 = arith.divf %get3A_7, %div3A_8 : vector<1x64xf32>
    %get3A_10 = arith.constant 1 : index
    %get3A_11 = arith.constant 0 : index
    %get3A_12 = vector.load %arg4[%get3A_10, %get3A_11] : memref<8x64xf32, #tpu.memory_space<vmem>>, vector<1x64xf32>
    %div3A_13 = arith.constant 1.600000e+05 : f32
    %div3A_14 = vector.broadcast %div3A_13 : f32 to vector<1x64xf32>
    %div3A_15 = arith.divf %get3A_12, %div3A_14 : vector<1x64xf32>
    %mul3A = arith.mulf %div3A_9, %div3A_9 : vector<1x64xf32>
    %sub3A = arith.subf %div3A_15, %mul3A : vector<1x64xf32>
    %get3A_16 = arith.constant 0 : index
    %get3A_17 = arith.constant 0 : index
    %get3A_18 = vector.load %arg5[%get3A_16, %get3A_17] : memref<8x64xf32, #tpu.memory_space<vmem>>, vector<1x64xf32>
    %get3A_19 = arith.constant 1 : index
    %get3A_20 = arith.constant 0 : index
    %get3A_21 = vector.load %arg5[%get3A_19, %get3A_20] : memref<8x64xf32, #tpu.memory_space<vmem>>, vector<1x64xf32>
    %get3A_22 = arith.constant 2 : index
    %get3A_23 = arith.constant 0 : index
    %get3A_24 = vector.load %arg5[%get3A_22, %get3A_23] : memref<8x64xf32, #tpu.memory_space<vmem>>, vector<1x64xf32>
    %sub3A_25 = vector.broadcast %div3A_9 : vector<1x64xf32> to vector<2000x64xf32>
    %sub3A_26 = arith.subf %add3A, %sub3A_25 : vector<2000x64xf32>
    %mul3A_27 = vector.broadcast %get3A_18 : vector<1x64xf32> to vector<2000x64xf32>
    %mul3A_28 = arith.mulf %mul3A_27, %sub3A_26 : vector<2000x64xf32>
    %add3A_29 = arith.constant 9.99999974E-6 : f32
    %add3A_30 = vector.broadcast %add3A_29 : f32 to vector<1x64xf32>
    %add3A_31 = arith.addf %sub3A, %add3A_30 : vector<1x64xf32>
    %sqrt3A = math.sqrt %add3A_31 : vector<1x64xf32>
    %div3A_32 = vector.broadcast %sqrt3A : vector<1x64xf32> to vector<2000x64xf32>
    %div3A_33 = arith.divf %mul3A_28, %div3A_32 : vector<2000x64xf32>
    %add3A_34 = vector.broadcast %get3A_21 : vector<1x64xf32> to vector<2000x64xf32>
    %add3A_35 = arith.addf %div3A_33, %add3A_34 : vector<2000x64xf32>
    %max3A = arith.constant 0.000000e+00 : f32
    %max3A_36 = vector.broadcast %max3A : f32 to vector<2000x64xf32>
    %max3A_37 = arith.maximumf %add3A_35, %max3A_36 : vector<2000x64xf32>
    %get3A_38 = arith.constant 0 : index
    %get3A_39 = arith.constant 0 : index
    %get3A_40 = vector.load %arg6[%get3A_38, %get3A_39] : memref<64x64xf32, #tpu.memory_space<vmem>>, vector<64x64xf32>
    %dot_general3A = arith.constant dense<0.000000e+00> : vector<2000x64xf32>
    %dot_general3A_41 = tpu.matmul %max3A_37, %get3A_40, %dot_general3A {dimension_numbers = #tpu.dot_dimension_numbers<[1], [0], [0], [1], [0, 0, 1, 1], [], []>, transpose_lhs_hint = false} : vector<2000x64xf32>, vector<64x64xf32>, vector<2000x64xf32> -> vector<2000x64xf32>
    %add3A_42 = vector.broadcast %get3A_24 : vector<1x64xf32> to vector<2000x64xf32>
    %add3A_43 = arith.addf %dot_general3A_41, %add3A_42 : vector<2000x64xf32>
    %eq3A = arith.constant 0 : i32
    %eq3A_44 = arith.cmpi eq, %arg1, %eq3A : i32
    %convert_element_type3A = arith.extui %eq3A_44 : i1 to i32
    %cond3A = arith.constant 0 : i32
    %cond3A_45 = arith.cmpi ne, %convert_element_type3A, %cond3A : i32
    scf.if %cond3A_45 {
      %swap3A = arith.constant 0 : index
      %swap3A_50 = arith.constant 0 : index
      %swap3A_51 = vector.load %arg7[%swap3A, %swap3A_50] : memref<2000x64xf32, #tpu.memory_space<vmem>>, vector<2000x64xf32>
      tpu.vector_store %arg7[%swap3A, %swap3A_50], %add3A_43 {strides = array<i32>} : memref<2000x64xf32, #tpu.memory_space<vmem>>, vector<2000x64xf32>,
    } else {
    }
    %gt3A = arith.constant 0 : i32
    %gt3A_46 = arith.cmpi sgt, %arg1, %gt3A : i32
    %convert_element_type3A_47 = arith.extui %gt3A_46 : i1 to i32
    %cond3A_48 = arith.constant 0 : i32
    %cond3A_49 = arith.cmpi ne, %convert_element_type3A_47, %cond3A_48 : i32
    scf.if %cond3A_49 {
      %get3A_50 = arith.constant 0 : index
      %get3A_51 = arith.constant 0 : index
      %get3A_52 = vector.load %arg7[%get3A_50, %get3A_51] : memref<2000x64xf32, #tpu.memory_space<vmem>>, vector<2000x64xf32>
      %max3A_53 = arith.maximumf %get3A_52, %add3A_43 : vector<2000x64xf32>
      %swap3A = arith.constant 0 : index
      %swap3A_54 = arith.constant 0 : index
      %swap3A_55 = vector.load %arg7[%swap3A, %swap3A_54] : memref<2000x64xf32, #tpu.memory_space<vmem>>, vector<2000x64xf32>
      tpu.vector_store %arg7[%swap3A, %swap3A_54], %max3A_53 {strides = array<i32>} : memref<2000x64xf32, #tpu.memory_space<vmem>>, vector<2000x64xf32>,
    } else {
    }
    return
  }
  func.func @transform_0(%arg0: i32, %arg1: i32) -> (i32, i32) {
    %mul3A = arith.constant 5 : i32
    %mul3A_0 = arith.muli %arg1, %mul3A : i32
    %add3A = arith.addi %mul3A_0, %arg0 : i32
    %c0_i32 = arith.constant 0 : i32
    %c0_i32_1 = arith.constant 0 : i32
    return %add3A, %c0_i32 : i32, i32
  }
  func.func @transform_1(%arg0: i32, %arg1: i32) -> (i32, i32) {
    %c0_i32 = arith.constant 0 : i32
    %c0_i32_0 = arith.constant 0 : i32
    return %arg0, %c0_i32 : i32, i32
  }
  func.func @transform_2(%arg0: i32, %arg1: i32) -> (i32, i32) {
    %c0_i32 = arith.constant 0 : i32
    %c0_i32_0 = arith.constant 0 : i32
    %c0_i32_1 = arith.constant 0 : i32
    return %c0_i32, %c0_i32_0 : i32, i32
  }
  func.func @transform_3(%arg0: i32, %arg1: i32) -> (i32, i32) {
    %c0_i32 = arith.constant 0 : i32
    %c0_i32_0 = arith.constant 0 : i32
    %c0_i32_1 = arith.constant 0 : i32
    return %c0_i32, %c0_i32_0 : i32, i32
  }
  func.func @transform_4(%arg0: i32, %arg1: i32) -> (i32, i32) {
    %c0_i32 = arith.constant 0 : i32
    %c0_i32_0 = arith.constant 0 : i32
    %c0_i32_1 = arith.constant 0 : i32
    return %c0_i32, %c0_i32_0 : i32, i32
  }
  func.func @transform_5(%arg0: i32, %arg1: i32) -> (i32, i32) {
    %c0_i32 = arith.constant 0 : i32
    %c0_i32_0 = arith.constant 0 : i32
    return %arg0, %c0_i32 : i32, i32
  }
}

module attributes {stable_mosaic.version = 14 : i64} {
  func.func @_mlp_body(%arg0: i32, %arg1: memref<400x64xf32, #tpu.memory_space<vmem>>, %arg2: memref<400x64xf32, #tpu.memory_space<vmem>>, %arg3: memref<400x64xf32, #tpu.memory_space<vmem>>, %arg4: memref<192x128xf32, #tpu.memory_space<vmem>>, %arg5: memref<8x128xf32, #tpu.memory_space<vmem>>, %arg6: memref<128x64xf32, #tpu.memory_space<vmem>>, %arg7: memref<8x64xf32, #tpu.memory_space<vmem>>, %arg8: memref<64x32xf32, #tpu.memory_space<vmem>>, %arg9: memref<8x32xf32, #tpu.memory_space<vmem>>, %arg10: memref<32x2xf32, #tpu.memory_space<vmem>>, %arg11: memref<8x2xf32, #tpu.memory_space<vmem>>, %arg12: memref<400x2xf32, #tpu.memory_space<vmem>>) attributes {dimension_semantics = [#tpu.dimension_semantics<arbitrary>], iteration_bounds = array<i64: 25>, scalar_prefetch = 0 : i64, scratch_operands = 0 : i64, tpu.core_type = #tpu.core_type<tc>, window_params = [{transform_indices = @transform_0, window_bounds = array<i64: 400, 64>}, {transform_indices = @transform_1, window_bounds = array<i64: 400, 64>}, {transform_indices = @transform_2, window_bounds = array<i64: 400, 64>}, {pipeline_mode = #tpu.pipeline_mode<synchronous>, transform_indices = @transform_3, window_bounds = array<i64: 192, 128>}, {pipeline_mode = #tpu.pipeline_mode<synchronous>, transform_indices = @transform_4, window_bounds = array<i64: 8, 128>}, {pipeline_mode = #tpu.pipeline_mode<synchronous>, transform_indices = @transform_5, window_bounds = array<i64: 128, 64>}, {pipeline_mode = #tpu.pipeline_mode<synchronous>, transform_indices = @transform_6, window_bounds = array<i64: 8, 64>}, {pipeline_mode = #tpu.pipeline_mode<synchronous>, transform_indices = @transform_7, window_bounds = array<i64: 64, 32>}, {pipeline_mode = #tpu.pipeline_mode<synchronous>, transform_indices = @transform_8, window_bounds = array<i64: 8, 32>}, {pipeline_mode = #tpu.pipeline_mode<synchronous>, transform_indices = @transform_9, window_bounds = array<i64: 32, 2>}, {pipeline_mode = #tpu.pipeline_mode<synchronous>, transform_indices = @transform_10, window_bounds = array<i64: 8, 2>}, {transform_indices = @transform_11, window_bounds = array<i64: 400, 2>}]} {
    %get3A = arith.constant 0 : index
    %get3A_0 = arith.constant 0 : index
    %get3A_1 = vector.load %arg1[%get3A, %get3A_0] : memref<400x64xf32, #tpu.memory_space<vmem>>, vector<400x64xf32>
    %get3A_2 = arith.constant 0 : index
    %get3A_3 = arith.constant 0 : index
    %get3A_4 = vector.load %arg2[%get3A_2, %get3A_3] : memref<400x64xf32, #tpu.memory_space<vmem>>, vector<400x64xf32>
    %get3A_5 = arith.constant 0 : index
    %get3A_6 = arith.constant 0 : index
    %get3A_7 = vector.load %arg3[%get3A_5, %get3A_6] : memref<400x64xf32, #tpu.memory_space<vmem>>, vector<400x64xf32>
    %concatenate3A = tpu.concatenate %get3A_1, %get3A_4, %get3A_7 in 1 : vector<400x64xf32>, vector<400x64xf32>, vector<400x64xf32> -> vector<400x192xf32>
    %get3A_8 = arith.constant 0 : index
    %get3A_9 = arith.constant 0 : index
    %get3A_10 = vector.load %arg4[%get3A_8, %get3A_9] : memref<192x128xf32, #tpu.memory_space<vmem>>, vector<192x128xf32>
    %dot_general3A = arith.constant dense<0.000000e+00> : vector<400x128xf32>
    %dot_general3A_11 = tpu.matmul %concatenate3A, %get3A_10, %dot_general3A {dimension_numbers = #tpu.dot_dimension_numbers<[1], [0], [0], [1], [0, 0, 1, 1], [], []>, transpose_lhs_hint = false} : vector<400x192xf32>, vector<192x128xf32>, vector<400x128xf32> -> vector<400x128xf32>
    %get3A_12 = arith.constant 0 : index
    %get3A_13 = arith.constant 0 : index
    %get3A_14 = vector.load %arg5[%get3A_12, %get3A_13] : memref<8x128xf32, #tpu.memory_space<vmem>>, vector<1x128xf32>
    %add3A = vector.broadcast %get3A_14 : vector<1x128xf32> to vector<400x128xf32>
    %add3A_15 = arith.addf %dot_general3A_11, %add3A : vector<400x128xf32>
    %max3A = arith.constant 0.000000e+00 : f32
    %max3A_16 = vector.broadcast %max3A : f32 to vector<400x128xf32>
    %max3A_17 = arith.maximumf %add3A_15, %max3A_16 : vector<400x128xf32>
    %get3A_18 = arith.constant 0 : index
    %get3A_19 = arith.constant 0 : index
    %get3A_20 = vector.load %arg6[%get3A_18, %get3A_19] : memref<128x64xf32, #tpu.memory_space<vmem>>, vector<128x64xf32>
    %dot_general3A_21 = arith.constant dense<0.000000e+00> : vector<400x64xf32>
    %dot_general3A_22 = tpu.matmul %max3A_17, %get3A_20, %dot_general3A_21 {dimension_numbers = #tpu.dot_dimension_numbers<[1], [0], [0], [1], [0, 0, 1, 1], [], []>, transpose_lhs_hint = false} : vector<400x128xf32>, vector<128x64xf32>, vector<400x64xf32> -> vector<400x64xf32>
    %get3A_23 = arith.constant 0 : index
    %get3A_24 = arith.constant 0 : index
    %get3A_25 = vector.load %arg7[%get3A_23, %get3A_24] : memref<8x64xf32, #tpu.memory_space<vmem>>, vector<1x64xf32>
    %add3A_26 = vector.broadcast %get3A_25 : vector<1x64xf32> to vector<400x64xf32>
    %add3A_27 = arith.addf %dot_general3A_22, %add3A_26 : vector<400x64xf32>
    %max3A_28 = arith.constant 0.000000e+00 : f32
    %max3A_29 = vector.broadcast %max3A_28 : f32 to vector<400x64xf32>
    %max3A_30 = arith.maximumf %add3A_27, %max3A_29 : vector<400x64xf32>
    %get3A_31 = arith.constant 0 : index
    %get3A_32 = arith.constant 0 : index
    %get3A_33 = vector.load %arg8[%get3A_31, %get3A_32] : memref<64x32xf32, #tpu.memory_space<vmem>>, vector<64x32xf32>
    %dot_general3A_34 = arith.constant dense<0.000000e+00> : vector<400x32xf32>
    %dot_general3A_35 = tpu.matmul %max3A_30, %get3A_33, %dot_general3A_34 {dimension_numbers = #tpu.dot_dimension_numbers<[1], [0], [0], [1], [0, 0, 1, 1], [], []>, transpose_lhs_hint = false} : vector<400x64xf32>, vector<64x32xf32>, vector<400x32xf32> -> vector<400x32xf32>
    %get3A_36 = arith.constant 0 : index
    %get3A_37 = arith.constant 0 : index
    %get3A_38 = vector.load %arg9[%get3A_36, %get3A_37] : memref<8x32xf32, #tpu.memory_space<vmem>>, vector<1x32xf32>
    %add3A_39 = vector.broadcast %get3A_38 : vector<1x32xf32> to vector<400x32xf32>
    %add3A_40 = arith.addf %dot_general3A_35, %add3A_39 : vector<400x32xf32>
    %max3A_41 = arith.constant 0.000000e+00 : f32
    %max3A_42 = vector.broadcast %max3A_41 : f32 to vector<400x32xf32>
    %max3A_43 = arith.maximumf %add3A_40, %max3A_42 : vector<400x32xf32>
    %get3A_44 = arith.constant 0 : index
    %get3A_45 = arith.constant 0 : index
    %get3A_46 = vector.load %arg10[%get3A_44, %get3A_45] : memref<32x2xf32, #tpu.memory_space<vmem>>, vector<32x2xf32>
    %dot_general3A_47 = arith.constant dense<0.000000e+00> : vector<400x2xf32>
    %dot_general3A_48 = tpu.matmul %max3A_43, %get3A_46, %dot_general3A_47 {dimension_numbers = #tpu.dot_dimension_numbers<[1], [0], [0], [1], [0, 0, 1, 1], [], []>, transpose_lhs_hint = false} : vector<400x32xf32>, vector<32x2xf32>, vector<400x2xf32> -> vector<400x2xf32>
    %get3A_49 = arith.constant 0 : index
    %get3A_50 = arith.constant 0 : index
    %get3A_51 = vector.load %arg11[%get3A_49, %get3A_50] : memref<8x2xf32, #tpu.memory_space<vmem>>, vector<1x2xf32>
    %add3A_52 = vector.broadcast %get3A_51 : vector<1x2xf32> to vector<400x2xf32>
    %add3A_53 = arith.addf %dot_general3A_48, %add3A_52 : vector<400x2xf32>
    %reduce_max3A = arith.constant dense<0xFF800000> : vector<400xf32>
    %reduce_max3A_54 = vector.multi_reduction <maximumf>, %add3A_53, %reduce_max3A [1] : vector<400x2xf32> to vector<400xf32>
    %broadcast_in_dim3A = vector.shape_cast %reduce_max3A_54 : vector<400xf32> to vector<400x1xf32>
    %sub3A = vector.broadcast %broadcast_in_dim3A : vector<400x1xf32> to vector<400x2xf32>
    %sub3A_55 = arith.subf %add3A_53, %sub3A : vector<400x2xf32>
    %exp3A = math.exp %sub3A_55 : vector<400x2xf32>
    %reduce_sum3A = arith.constant dense<0.000000e+00> : vector<400xf32>
    %reduce_sum3A_56 = vector.multi_reduction <add>, %exp3A, %reduce_sum3A [1] : vector<400x2xf32> to vector<400xf32>
    %broadcast_in_dim3A_57 = vector.shape_cast %reduce_sum3A_56 : vector<400xf32> to vector<400x1xf32>
    %log3A = math.log %broadcast_in_dim3A_57 : vector<400x1xf32>
    %add3A_58 = arith.addf %log3A, %broadcast_in_dim3A : vector<400x1xf32>
    %sub3A_59 = vector.broadcast %add3A_58 : vector<400x1xf32> to vector<400x2xf32>
    %sub3A_60 = arith.subf %add3A_53, %sub3A_59 : vector<400x2xf32>
    %swap3A = arith.constant 0 : index
    %swap3A_61 = arith.constant 0 : index
    %swap3A_62 = vector.load %arg12[%swap3A, %swap3A_61] : memref<400x2xf32, #tpu.memory_space<vmem>>, vector<400x2xf32>
    tpu.vector_store %arg12[%swap3A, %swap3A_61], %sub3A_60 {strides = array<i32>} : memref<400x2xf32, #tpu.memory_space<vmem>>, vector<400x2xf32>,
    return
  }
  func.func @transform_0(%arg0: i32) -> (i32, i32) {
    %c0_i32 = arith.constant 0 : i32
    %c0_i32_0 = arith.constant 0 : i32
    return %arg0, %c0_i32 : i32, i32
  }
  func.func @transform_1(%arg0: i32) -> (i32, i32) {
    %c0_i32 = arith.constant 0 : i32
    %c0_i32_0 = arith.constant 0 : i32
    return %arg0, %c0_i32 : i32, i32
  }
  func.func @transform_2(%arg0: i32) -> (i32, i32) {
    %c0_i32 = arith.constant 0 : i32
    %c0_i32_0 = arith.constant 0 : i32
    return %arg0, %c0_i32 : i32, i32
  }
  func.func @transform_3(%arg0: i32) -> (i32, i32) {
    %c0_i32 = arith.constant 0 : i32
    %c0_i32_0 = arith.constant 0 : i32
    %c0_i32_1 = arith.constant 0 : i32
    return %c0_i32, %c0_i32_0 : i32, i32
  }
  func.func @transform_4(%arg0: i32) -> (i32, i32) {
    %c0_i32 = arith.constant 0 : i32
    %c0_i32_0 = arith.constant 0 : i32
    %c0_i32_1 = arith.constant 0 : i32
    return %c0_i32, %c0_i32_0 : i32, i32
  }
  func.func @transform_5(%arg0: i32) -> (i32, i32) {
    %c0_i32 = arith.constant 0 : i32
    %c0_i32_0 = arith.constant 0 : i32
    %c0_i32_1 = arith.constant 0 : i32
    return %c0_i32, %c0_i32_0 : i32, i32
  }
  func.func @transform_6(%arg0: i32) -> (i32, i32) {
    %c0_i32 = arith.constant 0 : i32
    %c0_i32_0 = arith.constant 0 : i32
    %c0_i32_1 = arith.constant 0 : i32
    return %c0_i32, %c0_i32_0 : i32, i32
  }
  func.func @transform_7(%arg0: i32) -> (i32, i32) {
    %c0_i32 = arith.constant 0 : i32
    %c0_i32_0 = arith.constant 0 : i32
    %c0_i32_1 = arith.constant 0 : i32
    return %c0_i32, %c0_i32_0 : i32, i32
  }
  func.func @transform_8(%arg0: i32) -> (i32, i32) {
    %c0_i32 = arith.constant 0 : i32
    %c0_i32_0 = arith.constant 0 : i32
    %c0_i32_1 = arith.constant 0 : i32
    return %c0_i32, %c0_i32_0 : i32, i32
  }
  func.func @transform_9(%arg0: i32) -> (i32, i32) {
    %c0_i32 = arith.constant 0 : i32
    %c0_i32_0 = arith.constant 0 : i32
    %c0_i32_1 = arith.constant 0 : i32
    return %c0_i32, %c0_i32_0 : i32, i32
  }
  func.func @transform_10(%arg0: i32) -> (i32, i32) {
    %c0_i32 = arith.constant 0 : i32
    %c0_i32_0 = arith.constant 0 : i32
    %c0_i32_1 = arith.constant 0 : i32
    return %c0_i32, %c0_i32_0 : i32, i32
  }
  func.func @transform_11(%arg0: i32) -> (i32, i32) {
    %c0_i32 = arith.constant 0 : i32
    %c0_i32_0 = arith.constant 0 : i32
    return %arg0, %c0_i32 : i32, i32
  }
}

</mosaic_0001>

<sc_bundles>
// kernel: kernel.15.cloned.1.call-start
scs
__scs_entry_jumppad:
0x0: {  	(pc) =	sbr.rel $0x88, $3  }
0x1: {  	(tag) =	ssettag $0x0;
	lr =	simm.s32 $0x1  }
0x2: {  	[smem:$0x3F86] =	sst lr;
	_ =	strace $0xD0000000  }
0x3: {  	_ = 	snop  }
0x4: {  	_ = 	snop  }
0x5: {  	_ = 	snop  }
0x6: {  	_ = 	snop  }
0x7: {  	_ = 	snop  }
__scs_overlays_trampoline_lowered:
0x8: {  	[smem:$0x3F95] =	sst s0  }
0x9: {  	[smem:$0x3F96] =	sst s1  }
0xa: {  	[smem:$0x3F97] =	sst s2  }
0xb: {  	[smem:$0x3F98] =	sst s3  }
0xc: {  	[smem:$0x3F99] =	sst s4  }
0xd: {  	[smem:$0x3F9A] =	sst s5  }
0xe: {  	[smem:$0x3F9B] =	sst s6  }
0xf: {  	[smem:$0x3F9C] =	sst s7  }
0x10: {  	[smem:$0x3F9D] =	sst s8  }
0x11: {  	[smem:$0x3F9E] =	sst s9;
	s0 =	simm.s32 @!p0 $0x0  }
0x12: {  	s1 =	sld [smem:$0x3F84];
	s0 =	simm.s32 @p0 $0x1  }
0x13: {  	[smem:$0x3F9F] =	sst s0;
	s0 =	simm.s32 @!p1 $0x0  }
0x14: {  	s2 =	sld [smem:$0x3F83];
	s0 =	simm.s32 @p1 $0x1  }
0x15: {  	[smem:$0x3FA0] =	sst s0;
	s0 =	simm.s32 @!p2 $0x0  }
0x16: {  	s3 =	sld [smem:$0x3FDB];
	s0 =	simm.s32 @p2 $0x1  }
0x17: {  	s4 =	simm.s32 $0x1BF5;
	[smem:$0x3FA2] =	sst s0  }
0x18: {  	s0 =	sld [smem:$0x3F85];
	_ =	swait.ge [sflag:s4], $0x0  }
0x19: {  	s7 =	sld [smem:$0x3F86]  }
0x1a: {  	s8 =	sadd.s32 $0xFFFFE003, lr  }
0x1b: {  	s9 =	sadd.s32 $0xFFFFFEF7, lr;
	s5 =	simm.s32 $0xFFFFFFFF;
	p2 =	slt.u32 s8, $0xFFFFF086  }
0x1c: {  	p1 =	slt.u32 s9, $0xF7A;
	s5 =	simm.s32 @!p2 $0x0  }
0x1d: {  	s5 =	simm.s32 @p1 $0x1;
	p0 =	seq.s32 s7, s2  }
0x1e: {  	s7 =	smul.u32 @!p0 $0xF7A, s2;
	p2 =	seq.s32 @!p0 s5, $0x0  }
0x1f: {  	s9 =	smul.u32 $0xF7A, s1;
	s8 =	simm.s32 @!p0 $0x1BF5;
	p2 =	por !p2, p0  }
0x20: {  	[sflag:s8] =	ssyncset.s32 @!p0 $0xFFFFF086;
	s6 =	sadd.s32 @!p0 s3, s7;
	s7 =	simm.s32 @!p0 $0x108  }
0x21: {  	s3 =	sadd.s32 s3, s9;
	s6 =	sadd.s32 @!p0 $0x88, s6;
	s7 =	simm.s32 @p2 $0x1082  }
0x22: {  	[simem:s7], [sflag:s8] =	dma.local @!p0 [hbm:s6], $0xF7A  }
0x23: {  	s9 =	sor.u32 $0xD0000000, s2;
	s6 =	simm.s32 $0x108;
	_ =	swait.ge @!p0 [sflag:s8], $0x0  }
0x24: {  	s3 =	sadd.s32 $0x88, s3;
	s6 =	simm.s32 @!p1 $0x1082;
	[sflag:s4] =	ssyncset.s32 $0xFFFFF086  }
0x25: {  	[simem:s6], [sflag:s4] =	dma.local [hbm:s3], $0xF7A  }
0x26: {  	[smem:$0x3F86] =	sst s1;
	(tag) =	ssettag s2;
	_ =	strace s9  }
0x27: {  	s1 =	sld [smem:$0x3F96]  }
0x28: {  	s2 =	sld [smem:$0x3F97]  }
0x29: {  	s4 =	sld [smem:$0x3F99]  }
0x2a: {  	p0 =	seq.s32 s5, $0x0;
	s5 =	sld [smem:$0x3F9A]  }
0x2b: {  	s6 =	sld [smem:$0x3F9B]  }
0x2c: {  	s7 =	sld [smem:$0x3F9C]  }
0x2d: {  	s3 =	simm.s32 $0x108;
	s8 =	sld [smem:$0x3F9D]  }
0x2e: {  	s3 =	simm.s32 @!p0 $0x1082;
	s9 =	sld [smem:$0x3F9E]  }
0x2f: {  	lr =	sadd.s32 s0, s3;
	s0 =	sld [smem:$0x3F95]  }
0x30: {  	s3 =	sld [smem:$0x3F98]  }
0x31: {  	[smem:$0x3FA1] =	sst s10  }
0x32: {  	s10 =	sld [smem:$0x3F9F];
	_ =	sdelay $0x3  }
0x33: {  	p0 =	seq.s32 s10, $0x1;
	s10 =	sld [smem:$0x3FA1];
	_ =	sdelay $0x3  }
0x34: {  	[smem:$0x3FA1] =	sst s10  }
0x35: {  	s10 =	sld [smem:$0x3FA0];
	_ =	sdelay $0x3  }
0x36: {  	p1 =	seq.s32 s10, $0x1;
	s10 =	sld [smem:$0x3FA1];
	_ =	sdelay $0x3  }
0x37: {  	[smem:$0x3FA1] =	sst s10  }
0x38: {  	s10 =	sld [smem:$0x3FA2]  }
0x39: {  	_ = 	snop;
	(pc) =	sbr.ind lr, $3  }
0x3a: {  	_ = 	snop  }
0x3b: {  	_ = 	snop  }
0x3c: {  	p2 =	seq.s32 s10, $0x1;
	s10 =	sld [smem:$0x3FA1]  }
0x3d: {  	_ =	shalt  }
0x3e: {  	_ =	shalt  }
0x3f: {  	_ =	shalt  }
0x40: {  	_ =	shalt  }
0x41: {  	_ =	shalt  }
0x42: {  	_ =	shalt  }
0x43: {  	_ =	shalt  }
0x44: {  	_ =	shalt  }
0x45: {  	_ =	shalt  }
0x46: {  	_ =	shalt  }
0x47: {  	_ =	shalt  }
0x48: {  	_ =	shalt  }
0x49: {  	_ =	shalt  }
0x4a: {  	_ =	shalt  }
0x4b: {  	_ =	shalt  }
0x4c: {  	_ =	shalt  }
0x4d: {  	_ =	shalt  }
0x4e: {  	_ =	shalt  }
0x4f: {  	_ =	shalt  }
0x50: {  	_ =	shalt  }
0x51: {  	_ =	shalt  }
0x52: {  	_ =	shalt  }
0x53: {  	_ =	shalt  }
0x54: {  	_ =	shalt  }
0x55: {  	_ =	shalt  }
0x56: {  	_ =	shalt  }
0x57: {  	_ =	shalt  }
0x58: {  	_ =	shalt  }
0x59: {  	_ =	shalt  }
0x5a: {  	_ =	shalt  }
0x5b: {  	_ =	shalt  }
0x5c: {  	_ =	shalt  }
0x5d: {  	_ =	shalt  }
0x5e: {  	_ =	shalt  }
0x5f: {  	_ =	shalt  }
0x60: {  	_ =	shalt  }
0x61: {  	_ =	shalt  }
0x62: {  	_ =	shalt  }
0x63: {  	_ =	shalt  }
0x64: {  	_ =	shalt  }
0x65: {  	_ =	shalt  }
0x66: {  	_ =	shalt  }
0x67: {  	_ =	shalt  }
0x68: {  	_ =	shalt  }
0x69: {  	_ =	shalt  }
0x6a: {  	_ =	shalt  }
0x6b: {  	_ =	shalt  }
0x6c: {  	_ =	shalt  }
0x6d: {  	_ =	shalt  }
0x6e: {  	_ =	shalt  }
0x6f: {  	_ =	shalt  }
0x70: {  	_ =	shalt  }
0x71: {  	_ =	shalt  }
0x72: {  	_ =	shalt  }
0x73: {  	_ =	shalt  }
0x74: {  	_ =	shalt  }
0x75: {  	_ =	shalt  }
0x76: {  	_ =	shalt  }
0x77: {  	_ =	shalt  }
0x78: {  	_ =	shalt  }
0x79: {  	_ =	shalt  }
0x7a: {  	_ =	shalt  }
0x7b: {  	_ =	shalt  }
0x7c: {  	_ =	shalt  }
0x7d: {  	_ =	shalt  }
0x7e: {  	_ =	shalt  }
0x7f: {  	_ =	shalt  }
0x80: {  	_ =	shalt  }
0x81: {  	_ =	shalt  }
0x82: {  	_ =	shalt  }
0x83: {  	_ =	shalt  }
0x84: {  	_ =	shalt  }
0x85: {  	_ =	shalt  }
0x86: {  	_ =	shalt  }
0x87: {  	_ =	shalt  }
.Lfunc_end0:
.L_simem_size_0:
called_computation_lowered:
.L_overlay_start_0:
0x88: {  	s2 =	sld [smem:$0x3FD9]  }
0x89: {  	s3 =	sld [smem:$0x3FFE];
	_ =	sdelay $0x1  }
0x8a: {  	s1 =	srdreg.scid  }
0x8b: {  	s0 =	sand.u32 $0x1, s1  }
0x8c: {  	s16 =	sshll.u32 s0, $0xA;
	s2 =	sadd.s32 s3, s2  }
0x8d: {  	s2 =	sadd.s32 s2, s16  }
0x8e: {  	[smem:$0x3FAD] =	sst s2  }
0x8f: {  	_ = 	snop  }
0x90: {  	(tm) =	ssettm $0x1  }
0x91: {  	s17 =	sld [smem:$0x3FFB];
	_ =	sdelay $0x3  }
0x92: {  	_ =	strace s17  }
0x93: {  	s2 =	sld [smem:$0x3FFC];
	_ =	sdelay $0x3  }
0x94: {  	_ =	strace s2  }
0x95: {  	s2 =	sld [smem:$0x3FFD];
	_ =	sdelay $0x3  }
0x96: {  	_ =	strace s2  }
0x97: {  	_ =	strace $0x8FFFFFFF  }
0x98: {  	s18 =	sld [smem:$0x3FDB];
	_ =	sdelay $0x1  }
0x99: {  	s19 =	simm.s32 $_scs_section_size  }
0x9a: {  	s4 =	simm.s32 $_size__tile_overlayer_lowered;
	s5 =	simm.s32 $_tile_overlayer_lowered  }
0x9b: {  	s22 =	simm.s32 $0x1BFF;
	s21 =	sshll.u32 s5, $0x1;
	s2 =	sadd.s32 s19, s18  }
0x9c: {  	s6 =	simm.s32 $0x0;
	s20 =	sshll.u32 s4, $0x1;
	s4 =	sadd.s32 s21, s2  }
0x9d: {  	[timem:s6], [sflag:s22] =	dma.local [hbm:s4], s20  }
0x9e: {  	_ =	swait.ge [sflag:s22], s20  }
0x9f: {  	s3 =	ssub.s32 $0x0, s20;
	[sflag:s22] =	ssyncset.done $0x0  }
0xa0: {  	[sflag:s22] =	ssyncadd.s32 s3;
	_ =	sdelay $0x1  }
0xa1: {  	s23 =	simm.s32 $0x1B8B  }
0xa2: {  	_ =	swait.ge [sflag:s23], $0x1  }
0xa3: {  	[sflag:s23] =	ssyncset.done $0x0  }
0xa4: {  	s25 =	simm.s32 $0x1B8E;
	s24 =	sld [smem:$0x3FFE];
	[sflag:s23] =	ssyncadd.s32 $0xFFFFFFFF  }
0xa5: {  	s26 =	simm.s32 $execute0_lowered;
	[smem:$0x3FD2] =	sst s25  }
0xa6: {  	s4 =	sshll.u32 s26, $0x1;
	_ =	strace $0x80000046;
	[dreg:$0x1] =	wrdreg $0xFFFFFFFF  }
0xa7: {  	s28 =	simm.s32 $_size_execute0_lowered;
	s2 =	sadd.s32 s2, s4;
	[dreg:$0x0] =	wrdreg $0x0  }
0xa8: {  	s4 =	sshll.u32 s28, $0x1;
	[dreg:$0x2] =	wrdreg s2  }
0xa9: {  	[dreg:$0x3] =	wrdreg s4  }
0xaa: {  	[dreg:$0x4] =	wrdreg $0xC0  }
0xab: {  	_ =	task [dreg:s6], $0x5FFFF  }
0xac: {  	[dreg:$0x1] =	wrdreg $0xFFFFFFFF  }
0xad: {  	[dreg:$0x0] =	wrdreg $0x60  }
0xae: {  	[dreg:$0x2] =	wrdreg s24  }
0xaf: {  	[dreg:$0x3] =	wrdreg $0x9  }
0xb0: {  	_ =	task.clear_ibuf [dreg:s6], $0x4FFFF;
	_ =	strace $0x90000046  }
0xb1: {  	s29 =	simm.s32 $0x9;
	_ =	strace $0x80000048  }
0xb2: {  	_ =	swait.ge [sflag:s29], $0x1  }
0xb3: {  	[sflag:s29] =	ssyncadd.s32 $0xFFFFFFFF  }
0xb4: {  	_ =	strace $0x90000048  }
0xb5: {  	_ =	sfence  }
0xb6: {  	s30 =	sld [smem:$0x0];
	_ =	sdelay $0x2  }
0xb7: {  	s31 =	sshll.u32 s1, $0xD;
	s1 =	sshrl.u32 s1, $0x2  }
0xb8: {  	s3 =	sand.u32 $0x4000, s31;
	s1 =	sadd.s32 s1, s30  }
0xb9: {  	s0 =	sor.u32 s3, s0;
	s1 =	sshll.u32 s1, $0x11  }
0xba: {  	s0 =	sor.u32 s1, s0  }
0xbb: {  	s0 =	sadd.s32 $0x8F2B, s0  }
0xbc: {  	[sflag:s0] =	ssyncadd.remote.s32 $0x1  }
0xbd: {  	_ =	sfence.sel $0xFFFF  }
0xbe: {  	[dreg:$0x0] =	wrdreg $0xFFFFFFFF;
	(pc) =	sbr.abs _section_cstart, $3  }
0xbf: {  	[dreg:$0x1] =	wrdreg $0xFFFFFFFF  }
0xc0: {  	_ =	task.clear_ibuf [dreg:s6], $0x2FFFF;
	_ =	strace $0x9FFFFFFF  }
0xc1: {  	(tm) =	ssettm $0x7FFFFFFF  }
tec
execute0_lowered:
.L_overlay_start_1:
0x0: {  	(tag) =	ssettag $0x1  }
0x1: {  	s1 =	srdreg.scid  }
0x2: {  	s0 =	stileid.u32;
	s4 =	rddreg [dreg:$0x0]  }
0x3: {  	s2 =	simm.s32 $0x0;
	s12 =	simm.s32 $0x100;
	s13 =	simm.s32 $0x9400  }
0x4: {  	s14 =	simm.s32 $0x180;
	s15 =	simm.s32 $0xD400;
	s16 =	simm.s32 $0x1  }
0x5: {  	s17 =	simm.s32 $0x2;
	s18 =	simm.s32 $0x0;
	s7 =	smul.u32 $0x140000, s0  }
0x6: {  	s5 =	sand.u32 $0x1, s1;
	s1 =	rddreg [dreg:$0x1];
	s11 =	smul.u32 $0x28000, s0  }
0x7: {  	s3 =	sshll.u32 s0, $0x1;
	[smem:$0x7FF] =	sst s2;
	s9 =	smul.u32 $0xA0000, s5  }
0x8: {  	s10 =	sadd.s32 $0x33C00, s4;
	s3 =	sor.u32 s5, s3;
	s29 =	smul.u32 $0x14000, s5  }
0x9: {  	_ =	strace $0x80000047;
	s8 =	ssub.s32 $0x2, s5;
	s6 =	smul.u32 $0x1400, s3  }
0xa: {  	s3 =	sadd.s32 $0x7400, s4;
	s28 =	sshrl.u32 s8, $0x1;
	s31 =	sadd.s32 s11, s10  }
.Ltmp0:
0xb: {  	s11 =	simm.s32 $0x5400;
	s8 =	ssub.s32 s8, s28;
	(pc) =	sbr.rel .LBB2_1-.Ltmp0, $4  }
0xc: {  	s7 =	sadd.s32 s9, s7;
	s9 =	simm.s32 $0x80;
	s6 =	sshrl.u32 s6, $0x3  }
0xd: {  	s30 =	sshrl.u32 s7, $0x3;
	s5 =	smax.u32 s8, $0x1;
	s7 =	sadd.s32 s29, s31  }
0xe: {  	s8 =	simm.s32 $0x3;
	s6 =	sadd.s32 s6, s4;
	s7 =	sadd.s32 $0x1800, s7  }
0xf: {  	s4 =	sadd.s32 $0x2EC00, s6;
	s6 =	sadd.s32 s30, s10;
	s10 =	simm.s32 $0x1400  }
.LBB2_4:
0x10: {  	_ =	swait.ge [sflag:s17], $0x4000  }
0x11: {  	[sflag:s17] =	ssyncset.done $0x0  }
0x12: {  	s18 =	sadd.s32 $0x1, s18;
	[sflag:s17] =	ssyncadd.s32 $0xFFFFC000  }
0x13: {  	p0 =	sne.s32 s18, s5;
	_ =	swait.ge [sflag:s17], $0x4000  }
.Ltmp1:
0x14: {  	[sflag:s17] =	ssyncset.done $0x0;
	(pc) =	sbr.rel @!p0 .LBB2_5-.Ltmp1, $4  }
0x15: {  	[sflag:s17] =	ssyncadd.s32 $0xFFFFC000  }
0x16: {  	_ =	swait.ge [sflag:s17], $0x4000  }
0x17: {  	[sflag:s17] =	ssyncset.done $0x0  }
0x18: {  	[sflag:s17] =	ssyncadd.s32 $0xFFFFC000  }
.LBB2_1:
0x19: {  	[tilespmem:s2], [sflag:$0x3] =	stream.linear.gather [hbm4b:s4+s2], $0x1400, $0x38;
	[tilespmem:$0x11400] =	vst v63  }
0x1a: {  	_ =	swait.ge [sflag:s8], $0x1400  }
0x1b: {  	[sflag:s8] =	ssyncset.done $0x0  }
0x1c: {  	[sflag:s8] =	ssyncadd.s32 $0xFFFFEC00  }
0x1d: {  	[tilespmem:s10], [sflag:$0x1] =	stream.indirect.gather [hbm4b:s3+s9], $0x80, s2, s9, $0xb8;
	[tilespmem:$0x11400] =	vst v63  }
0x1e: {  	_ = 	snop  }
0x1f: {  	[tilespmem:s11], [sflag:$0x1] =	stream.indirect.gather [hbm4b:s3+s9], $0x80, s9, s9, $0xb8;
	[tilespmem:$0x11400] =	vst v63  }
0x20: {  	_ = 	snop  }
0x21: {  	[tilespmem:s13], [sflag:$0x1] =	stream.indirect.gather [hbm4b:s3+s9], $0x80, s12, s9, $0xb8;
	[tilespmem:$0x11400] =	vst v63  }
0x22: {  	s19 =	smov.u32 s7;
	s20 =	smov.u32 s6;
	s21 =	simm.s32 $0x0  }
0x23: {  	[tilespmem:s15], [sflag:$0x1] =	stream.indirect.gather [hbm4b:s3+s9], $0x80, s14, s9, $0xb8;
	[tilespmem:$0x11400] =	vst v63  }
.LBB2_2:
0x24: {  	_ =	swait.ge [sflag:s16], $0x4000  }
0x25: {  	[sflag:s16] =	ssyncset.done $0x0  }
0x26: {  	[sflag:s16] =	ssyncadd.s32 $0xFFFFC000  }
0x27: {  	[hbm4b:s20+s2] =	stream.linear.scatter [tilespmem:s10], [sflag:$0x2], $0x4000, $0x38;
	[tilespmem:$0x11400] =	vst v63  }
0x28: {  	_ =	swait.ge [sflag:s16], $0x4000  }
0x29: {  	[sflag:s16] =	ssyncset.done $0x0  }
0x2a: {  	s22 =	sadd.s32 $0xFFFFF000, s19;
	[sflag:s16] =	ssyncadd.s32 $0xFFFFC000  }
0x2b: {  	[hbm4b:s22+s2] =	stream.linear.scatter [tilespmem:s11], [sflag:$0x2], $0x4000, $0x38;
	[tilespmem:$0x11400] =	vst v63  }
0x2c: {  	_ =	swait.ge [sflag:s16], $0x4000  }
0x2d: {  	[sflag:s16] =	ssyncset.done $0x0  }
0x2e: {  	s31 =	sadd.s32 $0xFFFFF800, s19;
	[sflag:s16] =	ssyncadd.s32 $0xFFFFC000  }
0x2f: {  	[hbm4b:s31+s2] =	stream.linear.scatter [tilespmem:s13], [sflag:$0x2], $0x4000, $0x38;
	[tilespmem:$0x11400] =	vst v63  }
0x30: {  	_ =	swait.ge [sflag:s16], $0x4000  }
0x31: {  	p0 =	seq.s32 s21, $0x4800;
	[sflag:s16] =	ssyncset.done $0x0  }
.Ltmp2:
0x32: {  	[sflag:s16] =	ssyncadd.s32 $0xFFFFC000;
	(pc) =	sbr.rel @p0 .LBB2_4-.Ltmp2, $4  }
0x33: {  	[hbm4b:s19+s2] =	stream.linear.scatter [tilespmem:s15], [sflag:$0x2], $0x4000, $0x38;
	[tilespmem:$0x11400] =	vst v63  }
0x34: {  	_ =	swait.ge [sflag:s17], $0x4000  }
0x35: {  	[sflag:s17] =	ssyncset.done $0x0  }
0x36: {  	[sflag:s17] =	ssyncadd.s32 $0xFFFFC000  }
0x37: {  	s22 =	sshra.s32 s21, $0x2  }
0x38: {  	s23 =	sadd.s32 $0x200, s22  }
0x39: {  	[tilespmem:s10], [sflag:$0x1] =	stream.indirect.gather [hbm4b:s3+s9], $0x80, s23, s9, $0xb8;
	[tilespmem:$0x11400] =	vst v63  }
0x3a: {  	_ =	swait.ge [sflag:s17], $0x4000  }
0x3b: {  	[sflag:s17] =	ssyncset.done $0x0  }
0x3c: {  	s30 =	sadd.s32 $0x280, s22;
	[sflag:s17] =	ssyncadd.s32 $0xFFFFC000  }
0x3d: {  	[tilespmem:s11], [sflag:$0x1] =	stream.indirect.gather [hbm4b:s3+s9], $0x80, s30, s9, $0xb8;
	[tilespmem:$0x11400] =	vst v63  }
0x3e: {  	_ =	swait.ge [sflag:s17], $0x4000  }
0x3f: {  	[sflag:s17] =	ssyncset.done $0x0  }
0x40: {  	s31 =	sadd.s32 $0x300, s22;
	[sflag:s17] =	ssyncadd.s32 $0xFFFFC000  }
0x41: {  	[tilespmem:s13], [sflag:$0x1] =	stream.indirect.gather [hbm4b:s3+s9], $0x80, s31, s9, $0xb8;
	[tilespmem:$0x11400] =	vst v63  }
.Ltmp3:
0x42: {  	_ = 	snop;
	(pc) =	sbr.rel .LBB2_2-.Ltmp3, $4  }
0x43: {  	_ =	swait.ge [sflag:s17], $0x4000  }
0x44: {  	s21 =	sadd.s32 $0x800, s21;
	s20 =	sadd.s32 $0x2000, s20;
	[sflag:s17] =	ssyncset.done $0x0  }
0x45: {  	s19 =	sadd.s32 $0x2000, s19;
	s22 =	sadd.s32 $0x380, s22;
	[sflag:s17] =	ssyncadd.s32 $0xFFFFC000  }
0x46: {  	[tilespmem:s15], [sflag:$0x1] =	stream.indirect.gather [hbm4b:s3+s9], $0x80, s22, s9, $0xb8;
	[tilespmem:$0x11400] =	vst v63  }
.LBB2_5:
0x47: {  	_ =	sfence.sel $0x180000  }
0x48: {  	[bflag:$0x0] =	sbarrier.arrive $0xFFFF  }
0x49: {  	p0 =	sne.s32 s0, $0x0;
	_ =	strace $0x90000047  }
0x4a: {  	s0 =	sadd.s32 @!p0 $0x100000, s1;
	[bflag:$0x2] =	sbarrier.arrive $0xFFFF  }
0x4b: {  	[sflag:s0] =	ssyncadd.tile.s32 @!p0 $0x1;
	_ =	shalt  }
.Lfunc_end2:
_tile_overlayer_lowered:
.L_overlay_start_2:
0x4c: {  	(tag) =	ssettag $0x2  }
0x4d: {  	s0 =	rddreg [dreg:$0x0];
	s2 =	stileid.u32  }
0x4e: {  	s1 =	rddreg [dreg:$0x1];
	p0 =	sne.s32 s2, $0x0  }
0x4f: {  	s3 =	rddreg [dreg:$0x2];
	[bflag:$0x3] =	sbarrier.arrive $0xFFFF;
	s2 =	simm.s32 @!p0 $0x1C03  }
0x50: {  	[timem:s3], [sflag:s2] =	dma.local @!p0 [hbm:s0], s1  }
0x51: {  	s0 =	simm.s32 @!p0 $0x3  }
0x52: {  	_ =	swait.ge @!p0 [sflag:s0], s1  }
0x53: {  	s1 =	ssub.s32 @!p0 $0x0, s1;
	[sflag:s0] =	ssyncset.done @!p0 $0x0  }
0x54: {  	[sflag:s0] =	ssyncadd.s32 @!p0 s1  }
0x55: {  	[bflag:$0x3] =	sbarrier.arrive $0xFFFF  }
0x56: {  	_ =	shalt  }

// kernel: kernel.18.cloned.1.call-start
scs
__scs_entry_jumppad:
0x0: {  	(pc) =	sbr.rel $0x88, $3  }
0x1: {  	(tag) =	ssettag $0x0;
	lr =	simm.s32 $0x1  }
0x2: {  	[smem:$0x3F86] =	sst lr;
	_ =	strace $0xD0000000  }
0x3: {  	_ = 	snop  }
0x4: {  	_ = 	snop  }
0x5: {  	_ = 	snop  }
0x6: {  	_ = 	snop  }
0x7: {  	_ = 	snop  }
__scs_overlays_trampoline_lowered:
0x8: {  	[smem:$0x3F95] =	sst s0  }
0x9: {  	[smem:$0x3F96] =	sst s1  }
0xa: {  	[smem:$0x3F97] =	sst s2  }
0xb: {  	[smem:$0x3F98] =	sst s3  }
0xc: {  	[smem:$0x3F99] =	sst s4  }
0xd: {  	[smem:$0x3F9A] =	sst s5  }
0xe: {  	[smem:$0x3F9B] =	sst s6  }
0xf: {  	[smem:$0x3F9C] =	sst s7  }
0x10: {  	[smem:$0x3F9D] =	sst s8  }
0x11: {  	[smem:$0x3F9E] =	sst s9;
	s0 =	simm.s32 @!p0 $0x0  }
0x12: {  	s1 =	sld [smem:$0x3F84];
	s0 =	simm.s32 @p0 $0x1  }
0x13: {  	[smem:$0x3F9F] =	sst s0;
	s0 =	simm.s32 @!p1 $0x0  }
0x14: {  	s2 =	sld [smem:$0x3F83];
	s0 =	simm.s32 @p1 $0x1  }
0x15: {  	[smem:$0x3FA0] =	sst s0;
	s0 =	simm.s32 @!p2 $0x0  }
0x16: {  	s3 =	sld [smem:$0x3FDB];
	s0 =	simm.s32 @p2 $0x1  }
0x17: {  	s4 =	simm.s32 $0x1BF5;
	[smem:$0x3FA2] =	sst s0  }
0x18: {  	s0 =	sld [smem:$0x3F85];
	_ =	swait.ge [sflag:s4], $0x0  }
0x19: {  	s7 =	sld [smem:$0x3F86]  }
0x1a: {  	s8 =	sadd.s32 $0xFFFFE003, lr  }
0x1b: {  	s9 =	sadd.s32 $0xFFFFFEF7, lr;
	s5 =	simm.s32 $0xFFFFFFFF;
	p2 =	slt.u32 s8, $0xFFFFF086  }
0x1c: {  	p1 =	slt.u32 s9, $0xF7A;
	s5 =	simm.s32 @!p2 $0x0  }
0x1d: {  	s5 =	simm.s32 @p1 $0x1;
	p0 =	seq.s32 s7, s2  }
0x1e: {  	s7 =	smul.u32 @!p0 $0xF7A, s2;
	p2 =	seq.s32 @!p0 s5, $0x0  }
0x1f: {  	s9 =	smul.u32 $0xF7A, s1;
	s8 =	simm.s32 @!p0 $0x1BF5;
	p2 =	por !p2, p0  }
0x20: {  	[sflag:s8] =	ssyncset.s32 @!p0 $0xFFFFF086;
	s6 =	sadd.s32 @!p0 s3, s7;
	s7 =	simm.s32 @!p0 $0x108  }
0x21: {  	s3 =	sadd.s32 s3, s9;
	s6 =	sadd.s32 @!p0 $0x88, s6;
	s7 =	simm.s32 @p2 $0x1082  }
0x22: {  	[simem:s7], [sflag:s8] =	dma.local @!p0 [hbm:s6], $0xF7A  }
0x23: {  	s9 =	sor.u32 $0xD0000000, s2;
	s6 =	simm.s32 $0x108;
	_ =	swait.ge @!p0 [sflag:s8], $0x0  }
0x24: {  	s3 =	sadd.s32 $0x88, s3;
	s6 =	simm.s32 @!p1 $0x1082;
	[sflag:s4] =	ssyncset.s32 $0xFFFFF086  }
0x25: {  	[simem:s6], [sflag:s4] =	dma.local [hbm:s3], $0xF7A  }
0x26: {  	[smem:$0x3F86] =	sst s1;
	(tag) =	ssettag s2;
	_ =	strace s9  }
0x27: {  	s1 =	sld [smem:$0x3F96]  }
0x28: {  	s2 =	sld [smem:$0x3F97]  }
0x29: {  	s4 =	sld [smem:$0x3F99]  }
0x2a: {  	p0 =	seq.s32 s5, $0x0;
	s5 =	sld [smem:$0x3F9A]  }
0x2b: {  	s6 =	sld [smem:$0x3F9B]  }
0x2c: {  	s7 =	sld [smem:$0x3F9C]  }
0x2d: {  	s3 =	simm.s32 $0x108;
	s8 =	sld [smem:$0x3F9D]  }
0x2e: {  	s3 =	simm.s32 @!p0 $0x1082;
	s9 =	sld [smem:$0x3F9E]  }
0x2f: {  	lr =	sadd.s32 s0, s3;
	s0 =	sld [smem:$0x3F95]  }
0x30: {  	s3 =	sld [smem:$0x3F98]  }
0x31: {  	[smem:$0x3FA1] =	sst s10  }
0x32: {  	s10 =	sld [smem:$0x3F9F];
	_ =	sdelay $0x3  }
0x33: {  	p0 =	seq.s32 s10, $0x1;
	s10 =	sld [smem:$0x3FA1];
	_ =	sdelay $0x3  }
0x34: {  	[smem:$0x3FA1] =	sst s10  }
0x35: {  	s10 =	sld [smem:$0x3FA0];
	_ =	sdelay $0x3  }
0x36: {  	p1 =	seq.s32 s10, $0x1;
	s10 =	sld [smem:$0x3FA1];
	_ =	sdelay $0x3  }
0x37: {  	[smem:$0x3FA1] =	sst s10  }
0x38: {  	s10 =	sld [smem:$0x3FA2]  }
0x39: {  	_ = 	snop;
	(pc) =	sbr.ind lr, $3  }
0x3a: {  	_ = 	snop  }
0x3b: {  	_ = 	snop  }
0x3c: {  	p2 =	seq.s32 s10, $0x1;
	s10 =	sld [smem:$0x3FA1]  }
0x3d: {  	_ =	shalt  }
0x3e: {  	_ =	shalt  }
0x3f: {  	_ =	shalt  }
0x40: {  	_ =	shalt  }
0x41: {  	_ =	shalt  }
0x42: {  	_ =	shalt  }
0x43: {  	_ =	shalt  }
0x44: {  	_ =	shalt  }
0x45: {  	_ =	shalt  }
0x46: {  	_ =	shalt  }
0x47: {  	_ =	shalt  }
0x48: {  	_ =	shalt  }
0x49: {  	_ =	shalt  }
0x4a: {  	_ =	shalt  }
0x4b: {  	_ =	shalt  }
0x4c: {  	_ =	shalt  }
0x4d: {  	_ =	shalt  }
0x4e: {  	_ =	shalt  }
0x4f: {  	_ =	shalt  }
0x50: {  	_ =	shalt  }
0x51: {  	_ =	shalt  }
0x52: {  	_ =	shalt  }
0x53: {  	_ =	shalt  }
0x54: {  	_ =	shalt  }
0x55: {  	_ =	shalt  }
0x56: {  	_ =	shalt  }
0x57: {  	_ =	shalt  }
0x58: {  	_ =	shalt  }
0x59: {  	_ =	shalt  }
0x5a: {  	_ =	shalt  }
0x5b: {  	_ =	shalt  }
0x5c: {  	_ =	shalt  }
0x5d: {  	_ =	shalt  }
0x5e: {  	_ =	shalt  }
0x5f: {  	_ =	shalt  }
0x60: {  	_ =	shalt  }
0x61: {  	_ =	shalt  }
0x62: {  	_ =	shalt  }
0x63: {  	_ =	shalt  }
0x64: {  	_ =	shalt  }
0x65: {  	_ =	shalt  }
0x66: {  	_ =	shalt  }
0x67: {  	_ =	shalt  }
0x68: {  	_ =	shalt  }
0x69: {  	_ =	shalt  }
0x6a: {  	_ =	shalt  }
0x6b: {  	_ =	shalt  }
0x6c: {  	_ =	shalt  }
0x6d: {  	_ =	shalt  }
0x6e: {  	_ =	shalt  }
0x6f: {  	_ =	shalt  }
0x70: {  	_ =	shalt  }
0x71: {  	_ =	shalt  }
0x72: {  	_ =	shalt  }
0x73: {  	_ =	shalt  }
0x74: {  	_ =	shalt  }
0x75: {  	_ =	shalt  }
0x76: {  	_ =	shalt  }
0x77: {  	_ =	shalt  }
0x78: {  	_ =	shalt  }
0x79: {  	_ =	shalt  }
0x7a: {  	_ =	shalt  }
0x7b: {  	_ =	shalt  }
0x7c: {  	_ =	shalt  }
0x7d: {  	_ =	shalt  }
0x7e: {  	_ =	shalt  }
0x7f: {  	_ =	shalt  }
0x80: {  	_ =	shalt  }
0x81: {  	_ =	shalt  }
0x82: {  	_ =	shalt  }
0x83: {  	_ =	shalt  }
0x84: {  	_ =	shalt  }
0x85: {  	_ =	shalt  }
0x86: {  	_ =	shalt  }
0x87: {  	_ =	shalt  }
.Lfunc_end0:
.L_simem_size_0:
called_computation.1_lowered:
.L_overlay_start_0:
0x88: {  	s2 =	sld [smem:$0x3FD9]  }
0x89: {  	s3 =	sld [smem:$0x3FFE];
	_ =	sdelay $0x1  }
0x8a: {  	s1 =	srdreg.scid  }
0x8b: {  	s0 =	sand.u32 $0x1, s1  }
0x8c: {  	s16 =	sshll.u32 s0, $0xA;
	s2 =	sadd.s32 s3, s2  }
0x8d: {  	s2 =	sadd.s32 s2, s16  }
0x8e: {  	[smem:$0x3FAD] =	sst s2  }
0x8f: {  	_ = 	snop  }
0x90: {  	(tm) =	ssettm $0x1  }
0x91: {  	s17 =	sld [smem:$0x3FFB];
	_ =	sdelay $0x3  }
0x92: {  	_ =	strace s17  }
0x93: {  	s2 =	sld [smem:$0x3FFC];
	_ =	sdelay $0x3  }
0x94: {  	_ =	strace s2  }
0x95: {  	s2 =	sld [smem:$0x3FFD];
	_ =	sdelay $0x3  }
0x96: {  	_ =	strace s2  }
0x97: {  	_ =	strace $0x8FFFFFFF  }
0x98: {  	s18 =	sld [smem:$0x3FDB];
	_ =	sdelay $0x1  }
0x99: {  	s19 =	simm.s32 $_scs_section_size  }
0x9a: {  	s4 =	simm.s32 $_size__tile_overlayer_lowered;
	s5 =	simm.s32 $_tile_overlayer_lowered  }
0x9b: {  	s22 =	simm.s32 $0x1BFF;
	s21 =	sshll.u32 s5, $0x1;
	s2 =	sadd.s32 s19, s18  }
0x9c: {  	s6 =	simm.s32 $0x0;
	s20 =	sshll.u32 s4, $0x1;
	s4 =	sadd.s32 s21, s2  }
0x9d: {  	[timem:s6], [sflag:s22] =	dma.local [hbm:s4], s20  }
0x9e: {  	_ =	swait.ge [sflag:s22], s20  }
0x9f: {  	s3 =	ssub.s32 $0x0, s20;
	[sflag:s22] =	ssyncset.done $0x0  }
0xa0: {  	[sflag:s22] =	ssyncadd.s32 s3;
	_ =	sdelay $0x1  }
0xa1: {  	s23 =	simm.s32 $0x1B8B  }
0xa2: {  	_ =	swait.ge [sflag:s23], $0x1  }
0xa3: {  	[sflag:s23] =	ssyncset.done $0x0  }
0xa4: {  	s25 =	simm.s32 $0x1B8E;
	s24 =	sld [smem:$0x3FFE];
	[sflag:s23] =	ssyncadd.s32 $0xFFFFFFFF  }
0xa5: {  	s26 =	simm.s32 $execute0_lowered;
	[smem:$0x3FD2] =	sst s25  }
0xa6: {  	s4 =	sshll.u32 s26, $0x1;
	_ =	strace $0x80000049;
	[dreg:$0x1] =	wrdreg $0xFFFFFFFF  }
0xa7: {  	s28 =	simm.s32 $_size_execute0_lowered;
	s2 =	sadd.s32 s2, s4;
	[dreg:$0x0] =	wrdreg $0x0  }
0xa8: {  	s4 =	sshll.u32 s28, $0x1;
	[dreg:$0x2] =	wrdreg s2  }
0xa9: {  	[dreg:$0x3] =	wrdreg s4  }
0xaa: {  	[dreg:$0x4] =	wrdreg $0xC0  }
0xab: {  	_ =	task [dreg:s6], $0x5FFFF  }
0xac: {  	[dreg:$0x1] =	wrdreg $0xFFFFFFFF  }
0xad: {  	[dreg:$0x0] =	wrdreg $0x60  }
0xae: {  	[dreg:$0x2] =	wrdreg s24  }
0xaf: {  	[dreg:$0x3] =	wrdreg $0x9  }
0xb0: {  	_ =	task.clear_ibuf [dreg:s6], $0x4FFFF;
	_ =	strace $0x90000049  }
0xb1: {  	s29 =	simm.s32 $0x9;
	_ =	strace $0x8000004B  }
0xb2: {  	_ =	swait.ge [sflag:s29], $0x1  }
0xb3: {  	[sflag:s29] =	ssyncadd.s32 $0xFFFFFFFF  }
0xb4: {  	_ =	strace $0x9000004B  }
0xb5: {  	_ =	sfence  }
0xb6: {  	s30 =	sld [smem:$0x0];
	_ =	sdelay $0x2  }
0xb7: {  	s31 =	sshll.u32 s1, $0xD;
	s1 =	sshrl.u32 s1, $0x2  }
0xb8: {  	s3 =	sand.u32 $0x4000, s31;
	s1 =	sadd.s32 s1, s30  }
0xb9: {  	s0 =	sor.u32 s3, s0;
	s1 =	sshll.u32 s1, $0x11  }
0xba: {  	s0 =	sor.u32 s1, s0  }
0xbb: {  	s0 =	sadd.s32 $0x8F2B, s0  }
0xbc: {  	[sflag:s0] =	ssyncadd.remote.s32 $0x1  }
0xbd: {  	_ =	sfence.sel $0xFFFF  }
0xbe: {  	[dreg:$0x0] =	wrdreg $0xFFFFFFFF;
	(pc) =	sbr.abs _section_cstart, $3  }
0xbf: {  	[dreg:$0x1] =	wrdreg $0xFFFFFFFF  }
0xc0: {  	_ =	task.clear_ibuf [dreg:s6], $0x2FFFF;
	_ =	strace $0x9FFFFFFF  }
0xc1: {  	(tm) =	ssettm $0x7FFFFFFF  }
tec
execute0_lowered:
.L_overlay_start_1:
0x0: {  	(tag) =	ssettag $0x1  }
0x1: {  	s1 =	srdreg.scid  }
0x2: {  	s0 =	stileid.u32;
	s4 =	rddreg [dreg:$0x0]  }
0x3: {  	s2 =	simm.s32 $0x0;
	s12 =	simm.s32 $0x100;
	s13 =	simm.s32 $0x9400  }
0x4: {  	s14 =	simm.s32 $0x180;
	s15 =	simm.s32 $0xD400;
	s16 =	simm.s32 $0x1  }
0x5: {  	s17 =	simm.s32 $0x2;
	s18 =	simm.s32 $0x0;
	s7 =	smul.u32 $0x140000, s0  }
0x6: {  	s5 =	sand.u32 $0x1, s1;
	s1 =	rddreg [dreg:$0x1];
	s11 =	smul.u32 $0x28000, s0  }
0x7: {  	s3 =	sshll.u32 s0, $0x1;
	[smem:$0x7FF] =	sst s2;
	s9 =	smul.u32 $0xA0000, s5  }
0x8: {  	s10 =	sadd.s32 $0x2B4400, s4;
	s3 =	sor.u32 s5, s3;
	s29 =	smul.u32 $0x14000, s5  }
0x9: {  	_ =	strace $0x8000004A;
	s8 =	ssub.s32 $0x2, s5;
	s6 =	smul.u32 $0x1400, s3  }
0xa: {  	s3 =	sadd.s32 $0x2E600, s4;
	s28 =	sshrl.u32 s8, $0x1;
	s31 =	sadd.s32 s11, s10  }
.Ltmp0:
0xb: {  	s11 =	simm.s32 $0x5400;
	s8 =	ssub.s32 s8, s28;
	(pc) =	sbr.rel .LBB2_1-.Ltmp0, $4  }
0xc: {  	s7 =	sadd.s32 s9, s7;
	s9 =	simm.s32 $0x80;
	s6 =	sshrl.u32 s6, $0x3  }
0xd: {  	s30 =	sshrl.u32 s7, $0x3;
	s5 =	smax.u32 s8, $0x1;
	s7 =	sadd.s32 s29, s31  }
0xe: {  	s8 =	simm.s32 $0x3;
	s6 =	sadd.s32 s6, s4;
	s7 =	sadd.s32 $0x1800, s7  }
0xf: {  	s4 =	sadd.s32 $0x55E00, s6;
	s6 =	sadd.s32 s30, s10;
	s10 =	simm.s32 $0x1400  }
.LBB2_4:
0x10: {  	_ =	swait.ge [sflag:s17], $0x4000  }
0x11: {  	[sflag:s17] =	ssyncset.done $0x0  }
0x12: {  	s18 =	sadd.s32 $0x1, s18;
	[sflag:s17] =	ssyncadd.s32 $0xFFFFC000  }
0x13: {  	p0 =	sne.s32 s18, s5;
	_ =	swait.ge [sflag:s17], $0x4000  }
.Ltmp1:
0x14: {  	[sflag:s17] =	ssyncset.done $0x0;
	(pc) =	sbr.rel @!p0 .LBB2_5-.Ltmp1, $4  }
0x15: {  	[sflag:s17] =	ssyncadd.s32 $0xFFFFC000  }
0x16: {  	_ =	swait.ge [sflag:s17], $0x4000  }
0x17: {  	[sflag:s17] =	ssyncset.done $0x0  }
0x18: {  	[sflag:s17] =	ssyncadd.s32 $0xFFFFC000  }
.LBB2_1:
0x19: {  	[tilespmem:s2], [sflag:$0x3] =	stream.linear.gather [hbm4b:s4+s2], $0x1400, $0x38;
	[tilespmem:$0x11400] =	vst v63  }
0x1a: {  	_ =	swait.ge [sflag:s8], $0x1400  }
0x1b: {  	[sflag:s8] =	ssyncset.done $0x0  }
0x1c: {  	[sflag:s8] =	ssyncadd.s32 $0xFFFFEC00  }
0x1d: {  	[tilespmem:s10], [sflag:$0x1] =	stream.indirect.gather [hbm4b:s3+s9], $0x80, s2, s9, $0xb8;
	[tilespmem:$0x11400] =	vst v63  }
0x1e: {  	_ = 	snop  }
0x1f: {  	[tilespmem:s11], [sflag:$0x1] =	stream.indirect.gather [hbm4b:s3+s9], $0x80, s9, s9, $0xb8;
	[tilespmem:$0x11400] =	vst v63  }
0x20: {  	_ = 	snop  }
0x21: {  	[tilespmem:s13], [sflag:$0x1] =	stream.indirect.gather [hbm4b:s3+s9], $0x80, s12, s9, $0xb8;
	[tilespmem:$0x11400] =	vst v63  }
0x22: {  	s19 =	smov.u32 s7;
	s20 =	smov.u32 s6;
	s21 =	simm.s32 $0x0  }
0x23: {  	[tilespmem:s15], [sflag:$0x1] =	stream.indirect.gather [hbm4b:s3+s9], $0x80, s14, s9, $0xb8;
	[tilespmem:$0x11400] =	vst v63  }
.LBB2_2:
0x24: {  	_ =	swait.ge [sflag:s16], $0x4000  }
0x25: {  	[sflag:s16] =	ssyncset.done $0x0  }
0x26: {  	[sflag:s16] =	ssyncadd.s32 $0xFFFFC000  }
0x27: {  	[hbm4b:s20+s2] =	stream.linear.scatter [tilespmem:s10], [sflag:$0x2], $0x4000, $0x38;
	[tilespmem:$0x11400] =	vst v63  }
0x28: {  	_ =	swait.ge [sflag:s16], $0x4000  }
0x29: {  	[sflag:s16] =	ssyncset.done $0x0  }
0x2a: {  	s22 =	sadd.s32 $0xFFFFF000, s19;
	[sflag:s16] =	ssyncadd.s32 $0xFFFFC000  }
0x2b: {  	[hbm4b:s22+s2] =	stream.linear.scatter [tilespmem:s11], [sflag:$0x2], $0x4000, $0x38;
	[tilespmem:$0x11400] =	vst v63  }
0x2c: {  	_ =	swait.ge [sflag:s16], $0x4000  }
0x2d: {  	[sflag:s16] =	ssyncset.done $0x0  }
0x2e: {  	s31 =	sadd.s32 $0xFFFFF800, s19;
	[sflag:s16] =	ssyncadd.s32 $0xFFFFC000  }
0x2f: {  	[hbm4b:s31+s2] =	stream.linear.scatter [tilespmem:s13], [sflag:$0x2], $0x4000, $0x38;
	[tilespmem:$0x11400] =	vst v63  }
0x30: {  	_ =	swait.ge [sflag:s16], $0x4000  }
0x31: {  	p0 =	seq.s32 s21, $0x4800;
	[sflag:s16] =	ssyncset.done $0x0  }
.Ltmp2:
0x32: {  	[sflag:s16] =	ssyncadd.s32 $0xFFFFC000;
	(pc) =	sbr.rel @p0 .LBB2_4-.Ltmp2, $4  }
0x33: {  	[hbm4b:s19+s2] =	stream.linear.scatter [tilespmem:s15], [sflag:$0x2], $0x4000, $0x38;
	[tilespmem:$0x11400] =	vst v63  }
0x34: {  	_ =	swait.ge [sflag:s17], $0x4000  }
0x35: {  	[sflag:s17] =	ssyncset.done $0x0  }
0x36: {  	[sflag:s17] =	ssyncadd.s32 $0xFFFFC000  }
0x37: {  	s22 =	sshra.s32 s21, $0x2  }
0x38: {  	s23 =	sadd.s32 $0x200, s22  }
0x39: {  	[tilespmem:s10], [sflag:$0x1] =	stream.indirect.gather [hbm4b:s3+s9], $0x80, s23, s9, $0xb8;
	[tilespmem:$0x11400] =	vst v63  }
0x3a: {  	_ =	swait.ge [sflag:s17], $0x4000  }
0x3b: {  	[sflag:s17] =	ssyncset.done $0x0  }
0x3c: {  	s30 =	sadd.s32 $0x280, s22;
	[sflag:s17] =	ssyncadd.s32 $0xFFFFC000  }
0x3d: {  	[tilespmem:s11], [sflag:$0x1] =	stream.indirect.gather [hbm4b:s3+s9], $0x80, s30, s9, $0xb8;
	[tilespmem:$0x11400] =	vst v63  }
0x3e: {  	_ =	swait.ge [sflag:s17], $0x4000  }
0x3f: {  	[sflag:s17] =	ssyncset.done $0x0  }
0x40: {  	s31 =	sadd.s32 $0x300, s22;
	[sflag:s17] =	ssyncadd.s32 $0xFFFFC000  }
0x41: {  	[tilespmem:s13], [sflag:$0x1] =	stream.indirect.gather [hbm4b:s3+s9], $0x80, s31, s9, $0xb8;
	[tilespmem:$0x11400] =	vst v63  }
.Ltmp3:
0x42: {  	_ = 	snop;
	(pc) =	sbr.rel .LBB2_2-.Ltmp3, $4  }
0x43: {  	_ =	swait.ge [sflag:s17], $0x4000  }
0x44: {  	s21 =	sadd.s32 $0x800, s21;
	s20 =	sadd.s32 $0x2000, s20;
	[sflag:s17] =	ssyncset.done $0x0  }
0x45: {  	s19 =	sadd.s32 $0x2000, s19;
	s22 =	sadd.s32 $0x380, s22;
	[sflag:s17] =	ssyncadd.s32 $0xFFFFC000  }
0x46: {  	[tilespmem:s15], [sflag:$0x1] =	stream.indirect.gather [hbm4b:s3+s9], $0x80, s22, s9, $0xb8;
	[tilespmem:$0x11400] =	vst v63  }
.LBB2_5:
0x47: {  	_ =	sfence.sel $0x180000  }
0x48: {  	[bflag:$0x0] =	sbarrier.arrive $0xFFFF  }
0x49: {  	p0 =	sne.s32 s0, $0x0;
	_ =	strace $0x9000004A  }
0x4a: {  	s0 =	sadd.s32 @!p0 $0x100000, s1;
	[bflag:$0x2] =	sbarrier.arrive $0xFFFF  }
0x4b: {  	[sflag:s0] =	ssyncadd.tile.s32 @!p0 $0x1;
	_ =	shalt  }
.Lfunc_end2:
_tile_overlayer_lowered:
.L_overlay_start_2:
0x4c: {  	(tag) =	ssettag $0x2  }
0x4d: {  	s0 =	rddreg [dreg:$0x0];
	s2 =	stileid.u32  }
0x4e: {  	s1 =	rddreg [dreg:$0x1];
	p0 =	sne.s32 s2, $0x0  }
0x4f: {  	s3 =	rddreg [dreg:$0x2];
	[bflag:$0x3] =	sbarrier.arrive $0xFFFF;
	s2 =	simm.s32 @!p0 $0x1C03  }
0x50: {  	[timem:s3], [sflag:s2] =	dma.local @!p0 [hbm:s0], s1  }
0x51: {  	s0 =	simm.s32 @!p0 $0x3  }
0x52: {  	_ =	swait.ge @!p0 [sflag:s0], s1  }
0x53: {  	s1 =	ssub.s32 @!p0 $0x0, s1;
	[sflag:s0] =	ssyncset.done @!p0 $0x0  }
0x54: {  	[sflag:s0] =	ssyncadd.s32 @!p0 s1  }
0x55: {  	[bflag:$0x3] =	sbarrier.arrive $0xFFFF  }
0x56: {  	_ =	shalt  }

// kernel: kernel.21.cloned.1.call-start
scs
__scs_entry_jumppad:
0x0: {  	(pc) =	sbr.rel $0x88, $3  }
0x1: {  	(tag) =	ssettag $0x0;
	lr =	simm.s32 $0x1  }
0x2: {  	[smem:$0x3F86] =	sst lr;
	_ =	strace $0xD0000000  }
0x3: {  	_ = 	snop  }
0x4: {  	_ = 	snop  }
0x5: {  	_ = 	snop  }
0x6: {  	_ = 	snop  }
0x7: {  	_ = 	snop  }
__scs_overlays_trampoline_lowered:
0x8: {  	[smem:$0x3F95] =	sst s0  }
0x9: {  	[smem:$0x3F96] =	sst s1  }
0xa: {  	[smem:$0x3F97] =	sst s2  }
0xb: {  	[smem:$0x3F98] =	sst s3  }
0xc: {  	[smem:$0x3F99] =	sst s4  }
0xd: {  	[smem:$0x3F9A] =	sst s5  }
0xe: {  	[smem:$0x3F9B] =	sst s6  }
0xf: {  	[smem:$0x3F9C] =	sst s7  }
0x10: {  	[smem:$0x3F9D] =	sst s8  }
0x11: {  	[smem:$0x3F9E] =	sst s9;
	s0 =	simm.s32 @!p0 $0x0  }
0x12: {  	s1 =	sld [smem:$0x3F84];
	s0 =	simm.s32 @p0 $0x1  }
0x13: {  	[smem:$0x3F9F] =	sst s0;
	s0 =	simm.s32 @!p1 $0x0  }
0x14: {  	s2 =	sld [smem:$0x3F83];
	s0 =	simm.s32 @p1 $0x1  }
0x15: {  	[smem:$0x3FA0] =	sst s0;
	s0 =	simm.s32 @!p2 $0x0  }
0x16: {  	s3 =	sld [smem:$0x3FDB];
	s0 =	simm.s32 @p2 $0x1  }
0x17: {  	s4 =	simm.s32 $0x1BF5;
	[smem:$0x3FA2] =	sst s0  }
0x18: {  	s0 =	sld [smem:$0x3F85];
	_ =	swait.ge [sflag:s4], $0x0  }
0x19: {  	s7 =	sld [smem:$0x3F86]  }
0x1a: {  	s8 =	sadd.s32 $0xFFFFE003, lr  }
0x1b: {  	s9 =	sadd.s32 $0xFFFFFEF7, lr;
	s5 =	simm.s32 $0xFFFFFFFF;
	p2 =	slt.u32 s8, $0xFFFFF086  }
0x1c: {  	p1 =	slt.u32 s9, $0xF7A;
	s5 =	simm.s32 @!p2 $0x0  }
0x1d: {  	s5 =	simm.s32 @p1 $0x1;
	p0 =	seq.s32 s7, s2  }
0x1e: {  	s7 =	smul.u32 @!p0 $0xF7A, s2;
	p2 =	seq.s32 @!p0 s5, $0x0  }
0x1f: {  	s9 =	smul.u32 $0xF7A, s1;
	s8 =	simm.s32 @!p0 $0x1BF5;
	p2 =	por !p2, p0  }
0x20: {  	[sflag:s8] =	ssyncset.s32 @!p0 $0xFFFFF086;
	s6 =	sadd.s32 @!p0 s3, s7;
	s7 =	simm.s32 @!p0 $0x108  }
0x21: {  	s3 =	sadd.s32 s3, s9;
	s6 =	sadd.s32 @!p0 $0x88, s6;
	s7 =	simm.s32 @p2 $0x1082  }
0x22: {  	[simem:s7], [sflag:s8] =	dma.local @!p0 [hbm:s6], $0xF7A  }
0x23: {  	s9 =	sor.u32 $0xD0000000, s2;
	s6 =	simm.s32 $0x108;
	_ =	swait.ge @!p0 [sflag:s8], $0x0  }
0x24: {  	s3 =	sadd.s32 $0x88, s3;
	s6 =	simm.s32 @!p1 $0x1082;
	[sflag:s4] =	ssyncset.s32 $0xFFFFF086  }
0x25: {  	[simem:s6], [sflag:s4] =	dma.local [hbm:s3], $0xF7A  }
0x26: {  	[smem:$0x3F86] =	sst s1;
	(tag) =	ssettag s2;
	_ =	strace s9  }
0x27: {  	s1 =	sld [smem:$0x3F96]  }
0x28: {  	s2 =	sld [smem:$0x3F97]  }
0x29: {  	s4 =	sld [smem:$0x3F99]  }
0x2a: {  	p0 =	seq.s32 s5, $0x0;
	s5 =	sld [smem:$0x3F9A]  }
0x2b: {  	s6 =	sld [smem:$0x3F9B]  }
0x2c: {  	s7 =	sld [smem:$0x3F9C]  }
0x2d: {  	s3 =	simm.s32 $0x108;
	s8 =	sld [smem:$0x3F9D]  }
0x2e: {  	s3 =	simm.s32 @!p0 $0x1082;
	s9 =	sld [smem:$0x3F9E]  }
0x2f: {  	lr =	sadd.s32 s0, s3;
	s0 =	sld [smem:$0x3F95]  }
0x30: {  	s3 =	sld [smem:$0x3F98]  }
0x31: {  	[smem:$0x3FA1] =	sst s10  }
0x32: {  	s10 =	sld [smem:$0x3F9F];
	_ =	sdelay $0x3  }
0x33: {  	p0 =	seq.s32 s10, $0x1;
	s10 =	sld [smem:$0x3FA1];
	_ =	sdelay $0x3  }
0x34: {  	[smem:$0x3FA1] =	sst s10  }
0x35: {  	s10 =	sld [smem:$0x3FA0];
	_ =	sdelay $0x3  }
0x36: {  	p1 =	seq.s32 s10, $0x1;
	s10 =	sld [smem:$0x3FA1];
	_ =	sdelay $0x3  }
0x37: {  	[smem:$0x3FA1] =	sst s10  }
0x38: {  	s10 =	sld [smem:$0x3FA2]  }
0x39: {  	_ = 	snop;
	(pc) =	sbr.ind lr, $3  }
0x3a: {  	_ = 	snop  }
0x3b: {  	_ = 	snop  }
0x3c: {  	p2 =	seq.s32 s10, $0x1;
	s10 =	sld [smem:$0x3FA1]  }
0x3d: {  	_ =	shalt  }
0x3e: {  	_ =	shalt  }
0x3f: {  	_ =	shalt  }
0x40: {  	_ =	shalt  }
0x41: {  	_ =	shalt  }
0x42: {  	_ =	shalt  }
0x43: {  	_ =	shalt  }
0x44: {  	_ =	shalt  }
0x45: {  	_ =	shalt  }
0x46: {  	_ =	shalt  }
0x47: {  	_ =	shalt  }
0x48: {  	_ =	shalt  }
0x49: {  	_ =	shalt  }
0x4a: {  	_ =	shalt  }
0x4b: {  	_ =	shalt  }
0x4c: {  	_ =	shalt  }
0x4d: {  	_ =	shalt  }
0x4e: {  	_ =	shalt  }
0x4f: {  	_ =	shalt  }
0x50: {  	_ =	shalt  }
0x51: {  	_ =	shalt  }
0x52: {  	_ =	shalt  }
0x53: {  	_ =	shalt  }
0x54: {  	_ =	shalt  }
0x55: {  	_ =	shalt  }
0x56: {  	_ =	shalt  }
0x57: {  	_ =	shalt  }
0x58: {  	_ =	shalt  }
0x59: {  	_ =	shalt  }
0x5a: {  	_ =	shalt  }
0x5b: {  	_ =	shalt  }
0x5c: {  	_ =	shalt  }
0x5d: {  	_ =	shalt  }
0x5e: {  	_ =	shalt  }
0x5f: {  	_ =	shalt  }
0x60: {  	_ =	shalt  }
0x61: {  	_ =	shalt  }
0x62: {  	_ =	shalt  }
0x63: {  	_ =	shalt  }
0x64: {  	_ =	shalt  }
0x65: {  	_ =	shalt  }
0x66: {  	_ =	shalt  }
0x67: {  	_ =	shalt  }
0x68: {  	_ =	shalt  }
0x69: {  	_ =	shalt  }
0x6a: {  	_ =	shalt  }
0x6b: {  	_ =	shalt  }
0x6c: {  	_ =	shalt  }
0x6d: {  	_ =	shalt  }
0x6e: {  	_ =	shalt  }
0x6f: {  	_ =	shalt  }
0x70: {  	_ =	shalt  }
0x71: {  	_ =	shalt  }
0x72: {  	_ =	shalt  }
0x73: {  	_ =	shalt  }
0x74: {  	_ =	shalt  }
0x75: {  	_ =	shalt  }
0x76: {  	_ =	shalt  }
0x77: {  	_ =	shalt  }
0x78: {  	_ =	shalt  }
0x79: {  	_ =	shalt  }
0x7a: {  	_ =	shalt  }
0x7b: {  	_ =	shalt  }
0x7c: {  	_ =	shalt  }
0x7d: {  	_ =	shalt  }
0x7e: {  	_ =	shalt  }
0x7f: {  	_ =	shalt  }
0x80: {  	_ =	shalt  }
0x81: {  	_ =	shalt  }
0x82: {  	_ =	shalt  }
0x83: {  	_ =	shalt  }
0x84: {  	_ =	shalt  }
0x85: {  	_ =	shalt  }
0x86: {  	_ =	shalt  }
0x87: {  	_ =	shalt  }
.Lfunc_end0:
.L_simem_size_0:
called_computation.2_lowered:
.L_overlay_start_0:
0x88: {  	s2 =	sld [smem:$0x3FD9]  }
0x89: {  	s3 =	sld [smem:$0x3FFE];
	_ =	sdelay $0x1  }
0x8a: {  	s1 =	srdreg.scid  }
0x8b: {  	s0 =	sand.u32 $0x1, s1  }
0x8c: {  	s16 =	sshll.u32 s0, $0xA;
	s2 =	sadd.s32 s3, s2  }
0x8d: {  	s2 =	sadd.s32 s2, s16  }
0x8e: {  	[smem:$0x3FAD] =	sst s2  }
0x8f: {  	_ = 	snop  }
0x90: {  	(tm) =	ssettm $0x1  }
0x91: {  	s17 =	sld [smem:$0x3FFB];
	_ =	sdelay $0x3  }
0x92: {  	_ =	strace s17  }
0x93: {  	s2 =	sld [smem:$0x3FFC];
	_ =	sdelay $0x3  }
0x94: {  	_ =	strace s2  }
0x95: {  	s2 =	sld [smem:$0x3FFD];
	_ =	sdelay $0x3  }
0x96: {  	_ =	strace s2  }
0x97: {  	_ =	strace $0x8FFFFFFF  }
0x98: {  	s18 =	sld [smem:$0x3FDB];
	_ =	sdelay $0x1  }
0x99: {  	s19 =	simm.s32 $_scs_section_size  }
0x9a: {  	s4 =	simm.s32 $_size__tile_overlayer_lowered;
	s5 =	simm.s32 $_tile_overlayer_lowered  }
0x9b: {  	s22 =	simm.s32 $0x1BFF;
	s21 =	sshll.u32 s5, $0x1;
	s2 =	sadd.s32 s19, s18  }
0x9c: {  	s6 =	simm.s32 $0x0;
	s20 =	sshll.u32 s4, $0x1;
	s4 =	sadd.s32 s21, s2  }
0x9d: {  	[timem:s6], [sflag:s22] =	dma.local [hbm:s4], s20  }
0x9e: {  	_ =	swait.ge [sflag:s22], s20  }
0x9f: {  	s3 =	ssub.s32 $0x0, s20;
	[sflag:s22] =	ssyncset.done $0x0  }
0xa0: {  	[sflag:s22] =	ssyncadd.s32 s3;
	_ =	sdelay $0x1  }
0xa1: {  	s23 =	simm.s32 $0x1B8B  }
0xa2: {  	_ =	swait.ge [sflag:s23], $0x1  }
0xa3: {  	[sflag:s23] =	ssyncset.done $0x0  }
0xa4: {  	s25 =	simm.s32 $0x1B8E;
	s24 =	sld [smem:$0x3FFE];
	[sflag:s23] =	ssyncadd.s32 $0xFFFFFFFF  }
0xa5: {  	s26 =	simm.s32 $execute0_lowered;
	[smem:$0x3FD2] =	sst s25  }
0xa6: {  	s4 =	sshll.u32 s26, $0x1;
	_ =	strace $0x8000004C;
	[dreg:$0x1] =	wrdreg $0xFFFFFFFF  }
0xa7: {  	s28 =	simm.s32 $_size_execute0_lowered;
	s2 =	sadd.s32 s2, s4;
	[dreg:$0x0] =	wrdreg $0x0  }
0xa8: {  	s4 =	sshll.u32 s28, $0x1;
	[dreg:$0x2] =	wrdreg s2  }
0xa9: {  	[dreg:$0x3] =	wrdreg s4  }
0xaa: {  	[dreg:$0x4] =	wrdreg $0xC0  }
0xab: {  	_ =	task [dreg:s6], $0x5FFFF  }
0xac: {  	[dreg:$0x1] =	wrdreg $0xFFFFFFFF  }
0xad: {  	[dreg:$0x0] =	wrdreg $0x60  }
0xae: {  	[dreg:$0x2] =	wrdreg s24  }
0xaf: {  	[dreg:$0x3] =	wrdreg $0x9  }
0xb0: {  	_ =	task.clear_ibuf [dreg:s6], $0x4FFFF;
	_ =	strace $0x9000004C  }
0xb1: {  	s29 =	simm.s32 $0x9;
	_ =	strace $0x8000004E  }
0xb2: {  	_ =	swait.ge [sflag:s29], $0x1  }
0xb3: {  	[sflag:s29] =	ssyncadd.s32 $0xFFFFFFFF  }
0xb4: {  	_ =	strace $0x9000004E  }
0xb5: {  	_ =	sfence  }
0xb6: {  	s30 =	sld [smem:$0x0];
	_ =	sdelay $0x2  }
0xb7: {  	s31 =	sshll.u32 s1, $0xD;
	s1 =	sshrl.u32 s1, $0x2  }
0xb8: {  	s3 =	sand.u32 $0x4000, s31;
	s1 =	sadd.s32 s1, s30  }
0xb9: {  	s0 =	sor.u32 s3, s0;
	s1 =	sshll.u32 s1, $0x11  }
0xba: {  	s0 =	sor.u32 s1, s0  }
0xbb: {  	s0 =	sadd.s32 $0x8F2B, s0  }
0xbc: {  	[sflag:s0] =	ssyncadd.remote.s32 $0x1  }
0xbd: {  	_ =	sfence.sel $0xFFFF  }
0xbe: {  	[dreg:$0x0] =	wrdreg $0xFFFFFFFF;
	(pc) =	sbr.abs _section_cstart, $3  }
0xbf: {  	[dreg:$0x1] =	wrdreg $0xFFFFFFFF  }
0xc0: {  	_ =	task.clear_ibuf [dreg:s6], $0x2FFFF;
	_ =	strace $0x9FFFFFFF  }
0xc1: {  	(tm) =	ssettm $0x7FFFFFFF  }
tec
execute0_lowered:
.L_overlay_start_1:
0x0: {  	(tag) =	ssettag $0x1  }
0x1: {  	s1 =	srdreg.scid  }
0x2: {  	s0 =	stileid.u32;
	s4 =	rddreg [dreg:$0x0]  }
0x3: {  	s2 =	simm.s32 $0x0;
	s12 =	simm.s32 $0x100;
	s13 =	simm.s32 $0x9400  }
0x4: {  	s14 =	simm.s32 $0x180;
	s15 =	simm.s32 $0xD400;
	s16 =	simm.s32 $0x1  }
0x5: {  	s17 =	simm.s32 $0x2;
	s18 =	simm.s32 $0x0;
	s7 =	smul.u32 $0x140000, s0  }
0x6: {  	s5 =	sand.u32 $0x1, s1;
	s1 =	rddreg [dreg:$0x1];
	s11 =	smul.u32 $0x28000, s0  }
0x7: {  	s3 =	sshll.u32 s0, $0x1;
	[smem:$0x7FF] =	sst s2;
	s9 =	smul.u32 $0xA0000, s5  }
0x8: {  	s10 =	sadd.s32 $0xA9800, s4;
	s3 =	sor.u32 s5, s3;
	s29 =	smul.u32 $0x14000, s5  }
0x9: {  	_ =	strace $0x8000004D;
	s8 =	ssub.s32 $0x2, s5;
	s6 =	smul.u32 $0x1400, s3  }
0xa: {  	s3 =	sadd.s32 $0x55800, s4;
	s28 =	sshrl.u32 s8, $0x1;
	s31 =	sadd.s32 s11, s10  }
.Ltmp0:
0xb: {  	s11 =	simm.s32 $0x5400;
	s8 =	ssub.s32 s8, s28;
	(pc) =	sbr.rel .LBB2_1-.Ltmp0, $4  }
0xc: {  	s7 =	sadd.s32 s9, s7;
	s9 =	simm.s32 $0x80;
	s6 =	sshrl.u32 s6, $0x3  }
0xd: {  	s30 =	sshrl.u32 s7, $0x3;
	s5 =	smax.u32 s8, $0x1;
	s7 =	sadd.s32 s29, s31  }
0xe: {  	s8 =	simm.s32 $0x3;
	s6 =	sadd.s32 s6, s4;
	s7 =	sadd.s32 $0x1800, s7  }
0xf: {  	s4 =	sadd.s32 $0xA4800, s6;
	s6 =	sadd.s32 s30, s10;
	s10 =	simm.s32 $0x1400  }
.LBB2_4:
0x10: {  	_ =	swait.ge [sflag:s17], $0x4000  }
0x11: {  	[sflag:s17] =	ssyncset.done $0x0  }
0x12: {  	s18 =	sadd.s32 $0x1, s18;
	[sflag:s17] =	ssyncadd.s32 $0xFFFFC000  }
0x13: {  	p0 =	sne.s32 s18, s5;
	_ =	swait.ge [sflag:s17], $0x4000  }
.Ltmp1:
0x14: {  	[sflag:s17] =	ssyncset.done $0x0;
	(pc) =	sbr.rel @!p0 .LBB2_5-.Ltmp1, $4  }
0x15: {  	[sflag:s17] =	ssyncadd.s32 $0xFFFFC000  }
0x16: {  	_ =	swait.ge [sflag:s17], $0x4000  }
0x17: {  	[sflag:s17] =	ssyncset.done $0x0  }
0x18: {  	[sflag:s17] =	ssyncadd.s32 $0xFFFFC000  }
.LBB2_1:
0x19: {  	[tilespmem:s2], [sflag:$0x3] =	stream.linear.gather [hbm4b:s4+s2], $0x1400, $0x38;
	[tilespmem:$0x11400] =	vst v63  }
0x1a: {  	_ =	swait.ge [sflag:s8], $0x1400  }
0x1b: {  	[sflag:s8] =	ssyncset.done $0x0  }
0x1c: {  	[sflag:s8] =	ssyncadd.s32 $0xFFFFEC00  }
0x1d: {  	[tilespmem:s10], [sflag:$0x1] =	stream.indirect.gather [hbm4b:s3+s9], $0x80, s2, s9, $0xb8;
	[tilespmem:$0x11400] =	vst v63  }
0x1e: {  	_ = 	snop  }
0x1f: {  	[tilespmem:s11], [sflag:$0x1] =	stream.indirect.gather [hbm4b:s3+s9], $0x80, s9, s9, $0xb8;
	[tilespmem:$0x11400] =	vst v63  }
0x20: {  	_ = 	snop  }
0x21: {  	[tilespmem:s13], [sflag:$0x1] =	stream.indirect.gather [hbm4b:s3+s9], $0x80, s12, s9, $0xb8;
	[tilespmem:$0x11400] =	vst v63  }
0x22: {  	s19 =	smov.u32 s7;
	s20 =	smov.u32 s6;
	s21 =	simm.s32 $0x0  }
0x23: {  	[tilespmem:s15], [sflag:$0x1] =	stream.indirect.gather [hbm4b:s3+s9], $0x80, s14, s9, $0xb8;
	[tilespmem:$0x11400] =	vst v63  }
.LBB2_2:
0x24: {  	_ =	swait.ge [sflag:s16], $0x4000  }
0x25: {  	[sflag:s16] =	ssyncset.done $0x0  }
0x26: {  	[sflag:s16] =	ssyncadd.s32 $0xFFFFC000  }
0x27: {  	[hbm4b:s20+s2] =	stream.linear.scatter [tilespmem:s10], [sflag:$0x2], $0x4000, $0x38;
	[tilespmem:$0x11400] =	vst v63  }
0x28: {  	_ =	swait.ge [sflag:s16], $0x4000  }
0x29: {  	[sflag:s16] =	ssyncset.done $0x0  }
0x2a: {  	s22 =	sadd.s32 $0xFFFFF000, s19;
	[sflag:s16] =	ssyncadd.s32 $0xFFFFC000  }
0x2b: {  	[hbm4b:s22+s2] =	stream.linear.scatter [tilespmem:s11], [sflag:$0x2], $0x4000, $0x38;
	[tilespmem:$0x11400] =	vst v63  }
0x2c: {  	_ =	swait.ge [sflag:s16], $0x4000  }
0x2d: {  	[sflag:s16] =	ssyncset.done $0x0  }
0x2e: {  	s31 =	sadd.s32 $0xFFFFF800, s19;
	[sflag:s16] =	ssyncadd.s32 $0xFFFFC000  }
0x2f: {  	[hbm4b:s31+s2] =	stream.linear.scatter [tilespmem:s13], [sflag:$0x2], $0x4000, $0x38;
	[tilespmem:$0x11400] =	vst v63  }
0x30: {  	_ =	swait.ge [sflag:s16], $0x4000  }
0x31: {  	p0 =	seq.s32 s21, $0x4800;
	[sflag:s16] =	ssyncset.done $0x0  }
.Ltmp2:
0x32: {  	[sflag:s16] =	ssyncadd.s32 $0xFFFFC000;
	(pc) =	sbr.rel @p0 .LBB2_4-.Ltmp2, $4  }
0x33: {  	[hbm4b:s19+s2] =	stream.linear.scatter [tilespmem:s15], [sflag:$0x2], $0x4000, $0x38;
	[tilespmem:$0x11400] =	vst v63  }
0x34: {  	_ =	swait.ge [sflag:s17], $0x4000  }
0x35: {  	[sflag:s17] =	ssyncset.done $0x0  }
0x36: {  	[sflag:s17] =	ssyncadd.s32 $0xFFFFC000  }
0x37: {  	s22 =	sshra.s32 s21, $0x2  }
0x38: {  	s23 =	sadd.s32 $0x200, s22  }
0x39: {  	[tilespmem:s10], [sflag:$0x1] =	stream.indirect.gather [hbm4b:s3+s9], $0x80, s23, s9, $0xb8;
	[tilespmem:$0x11400] =	vst v63  }
0x3a: {  	_ =	swait.ge [sflag:s17], $0x4000  }
0x3b: {  	[sflag:s17] =	ssyncset.done $0x0  }
0x3c: {  	s30 =	sadd.s32 $0x280, s22;
	[sflag:s17] =	ssyncadd.s32 $0xFFFFC000  }
0x3d: {  	[tilespmem:s11], [sflag:$0x1] =	stream.indirect.gather [hbm4b:s3+s9], $0x80, s30, s9, $0xb8;
	[tilespmem:$0x11400] =	vst v63  }
0x3e: {  	_ =	swait.ge [sflag:s17], $0x4000  }
0x3f: {  	[sflag:s17] =	ssyncset.done $0x0  }
0x40: {  	s31 =	sadd.s32 $0x300, s22;
	[sflag:s17] =	ssyncadd.s32 $0xFFFFC000  }
0x41: {  	[tilespmem:s13], [sflag:$0x1] =	stream.indirect.gather [hbm4b:s3+s9], $0x80, s31, s9, $0xb8;
	[tilespmem:$0x11400] =	vst v63  }
.Ltmp3:
0x42: {  	_ = 	snop;
	(pc) =	sbr.rel .LBB2_2-.Ltmp3, $4  }
0x43: {  	_ =	swait.ge [sflag:s17], $0x4000  }
0x44: {  	s21 =	sadd.s32 $0x800, s21;
	s20 =	sadd.s32 $0x2000, s20;
	[sflag:s17] =	ssyncset.done $0x0  }
0x45: {  	s19 =	sadd.s32 $0x2000, s19;
	s22 =	sadd.s32 $0x380, s22;
	[sflag:s17] =	ssyncadd.s32 $0xFFFFC000  }
0x46: {  	[tilespmem:s15], [sflag:$0x1] =	stream.indirect.gather [hbm4b:s3+s9], $0x80, s22, s9, $0xb8;
	[tilespmem:$0x11400] =	vst v63  }
.LBB2_5:
0x47: {  	_ =	sfence.sel $0x180000  }
0x48: {  	[bflag:$0x0] =	sbarrier.arrive $0xFFFF  }
0x49: {  	p0 =	sne.s32 s0, $0x0;
	_ =	strace $0x9000004D  }
0x4a: {  	s0 =	sadd.s32 @!p0 $0x100000, s1;
	[bflag:$0x2] =	sbarrier.arrive $0xFFFF  }
0x4b: {  	[sflag:s0] =	ssyncadd.tile.s32 @!p0 $0x1;
	_ =	shalt  }
.Lfunc_end2:
_tile_overlayer_lowered:
.L_overlay_start_2:
0x4c: {  	(tag) =	ssettag $0x2  }
0x4d: {  	s0 =	rddreg [dreg:$0x0];
	s2 =	stileid.u32  }
0x4e: {  	s1 =	rddreg [dreg:$0x1];
	p0 =	sne.s32 s2, $0x0  }
0x4f: {  	s3 =	rddreg [dreg:$0x2];
	[bflag:$0x3] =	sbarrier.arrive $0xFFFF;
	s2 =	simm.s32 @!p0 $0x1C03  }
0x50: {  	[timem:s3], [sflag:s2] =	dma.local @!p0 [hbm:s0], s1  }
0x51: {  	s0 =	simm.s32 @!p0 $0x3  }
0x52: {  	_ =	swait.ge @!p0 [sflag:s0], s1  }
0x53: {  	s1 =	ssub.s32 @!p0 $0x0, s1;
	[sflag:s0] =	ssyncset.done @!p0 $0x0  }
0x54: {  	[sflag:s0] =	ssyncadd.s32 @!p0 s1  }
0x55: {  	[bflag:$0x3] =	sbarrier.arrive $0xFFFF  }
0x56: {  	_ =	shalt  }

</sc_bundles>
